<compile_context>
chip_gen: v7x
topology: tpu7x:2x2x1
jax: 0.10.2.dev20260603
libtpu: 0.0.44.dev20260713+nightly
codegen_flags: <defaults>
</compile_context>

<pallas_src>
import functools

import jax
import jax.numpy as jnp
from jax import lax
from jax.experimental import pallas as pl
from jax.experimental.pallas import tpu as pltpu
from jax.experimental.pallas import tpu_sc as plsc

NTOKEN = 100000
NTOKEN_C = 1000
EMB_DIM = 300
C_EMB_DIM = 64
EMB_PAD = 384
C_EMB_PAD = 128

B0, B1 = 4096, 50
B_TOTAL = B0 * B1
NC, NS = 2, 16
NW = NC * NS
B_PER_W = B_TOTAL // NW
CHUNK = 128
N_CHUNKS = B_PER_W // CHUNK



def _make_embed_kernel():
    mesh = plsc.VectorSubcoreMesh(core_axis_name="c", subcore_axis_name="s")

    @functools.partial(
        pl.kernel,
        mesh=mesh,
        out_type=(
            jax.ShapeDtypeStruct((B_TOTAL, EMB_PAD), jnp.float32),
            jax.ShapeDtypeStruct((B_TOTAL, C_EMB_PAD), jnp.float32),
        ),
        scratch_types=[
            pltpu.VMEM((N_CHUNKS, CHUNK), jnp.int32),
            pltpu.VMEM((N_CHUNKS, CHUNK), jnp.int32),
            pltpu.VMEM((CHUNK, EMB_PAD), jnp.float32),
            pltpu.VMEM((CHUNK, C_EMB_PAD), jnp.float32),
            pltpu.SemaphoreType.DMA,
        ],
    )
    def embed_kernel(x_hbm, xc_hbm, emb_hbm, cemb_hbm, out_hbm, outc_hbm,
                     idx_v, idxc_v, rows_v, crows_v, sem):
        wid = lax.axis_index("s") * NC + lax.axis_index("c")
        base = wid * B_PER_W
        pltpu.sync_copy(x_hbm.at[wid], idx_v)
        pltpu.sync_copy(xc_hbm.at[wid], idxc_v)

        def body(j, carry):
            row0 = base + j * CHUNK
            pltpu.async_copy(emb_hbm.at[idx_v.at[j]], rows_v, sem).wait()
            pltpu.sync_copy(rows_v, out_hbm.at[pl.ds(row0, CHUNK)])
            pltpu.async_copy(cemb_hbm.at[idxc_v.at[j]], crows_v, sem).wait()
            pltpu.sync_copy(crows_v, outc_hbm.at[pl.ds(row0, CHUNK)])
            return carry

        lax.fori_loop(0, N_CHUNKS, body, 0)

    return embed_kernel


_embed = _make_embed_kernel()


_PAD_ROWS = 1000


def _pad_body(i_ref, o_ref):
    o_ref[:, :EMB_DIM] = i_ref[...]
    o_ref[:, EMB_DIM:] = jnp.zeros((_PAD_ROWS, EMB_PAD - EMB_DIM), jnp.float32)


_pad_emb = pl.pallas_call(
    _pad_body,
    grid=(NTOKEN // _PAD_ROWS,),
    in_specs=[pl.BlockSpec((_PAD_ROWS, EMB_DIM), lambda i: (i, 0))],
    out_specs=pl.BlockSpec((_PAD_ROWS, EMB_PAD), lambda i: (i, 0)),
    out_shape=jax.ShapeDtypeStruct((NTOKEN, EMB_PAD), jnp.float32),
)

_SLC_SEQ = 8


def _make_slice(din_pad, dout):
    def body(i_ref, o_ref):
        for s in range(_SLC_SEQ):
            o_ref[0, s] = i_ref[0, pl.ds(s * B1, B1), :dout]

    return pl.pallas_call(
        body,
        grid=(B0 // _SLC_SEQ,),
        in_specs=[pl.BlockSpec((1, _SLC_SEQ * B1, din_pad), lambda i: (i, 0, 0))],
        out_specs=pl.BlockSpec((1, _SLC_SEQ, B1, dout), lambda i: (i, 0, 0, 0)),
        out_shape=jax.ShapeDtypeStruct((B0 // _SLC_SEQ, _SLC_SEQ, B1, dout),
                                       jnp.float32),
    )


_slice_emb = _make_slice(EMB_PAD, EMB_DIM)
_slice_cemb = _make_slice(C_EMB_PAD, C_EMB_DIM)


def kernel(x, x_c, emb_W, c_emb_W):
    xf = x.reshape(NW, N_CHUNKS, CHUNK).astype(jnp.int32)
    xcf = x_c.reshape(NW, N_CHUNKS, CHUNK).astype(jnp.int32)
    emb_p = _pad_emb(emb_W)
    cemb_p = jnp.pad(c_emb_W, ((0, 0), (0, C_EMB_PAD - C_EMB_DIM)))
    out, outc = _embed(xf, xcf, emb_p, cemb_p)
    out = _slice_emb(out.reshape(B0 // _SLC_SEQ, _SLC_SEQ * B1, EMB_PAD))
    outc = _slice_cemb(outc.reshape(B0 // _SLC_SEQ, _SLC_SEQ * B1, C_EMB_PAD))
    return (out.reshape(B0, B1, EMB_DIM), outc.reshape(B0, B1, C_EMB_DIM))

# --- scband reference (transcript-rebuilt; emitter-appended) ---
"""Pipeline reference for scband-word-embedding-2568390443464 (READ-ONLY COPY).

The authoritative reference and input builder live on the scoring server;
editing this copy changes nothing except your own understanding.
"""

import jax, jax.numpy as jnp
import numpy as np

NTOKEN = 100000
NTOKEN_C = 1000
EMB_DIM = 300
C_EMB_DIM = 64

def setup_inputs(seed: int = 0) -> dict:
    key = jax.random.key(seed)
    k1, k2, k3, k4 = jax.random.split(key, 4)
    x = jax.random.randint(k1, (4096, 50), 0, NTOKEN, dtype=jnp.int64) if jax.config.jax_enable_x64 else jax.random.randint(k1, (4096, 50), 0, NTOKEN, dtype=jnp.int32)
    x_c = jax.random.randint(k2, (4096, 50), 0, NTOKEN_C, dtype=x.dtype)
    emb_W = jax.random.normal(k3, (NTOKEN, EMB_DIM), dtype=jnp.float32)
    c_emb_W = jax.random.normal(k4, (NTOKEN_C, C_EMB_DIM), dtype=jnp.float32)
    # padding_idx=0: row 0 is zeros, matching nn.Embedding(padding_idx=0)
    emb_W = emb_W.at[0].set(0.0)
    c_emb_W = c_emb_W.at[0].set(0.0)
    return {"x": x, "x_c": x_c, "emb_W": emb_W, "c_emb_W": c_emb_W}

def reference(x, x_c, emb_W, c_emb_W):
    # WordEmbedding.forward: emb(x) -> dropout; c_emb(x_c) -> dropout.
    # Dropout is identity in inference mode.
    emb = jnp.take(emb_W, x, axis=0)
    emb_c = jnp.take(c_emb_W, x_c, axis=0)
    return (emb, emb_c)

if __name__ == "__main__":
    import jax
    _d = setup_inputs()
    print(jax.jit(kernel)(*tuple(_d.values())))

</pallas_src>

<mosaic_0001>
#map = affine_map<(d0, d1) -> (0, 0, 0)>
#map1 = affine_map<(d0, d1) -> (0, 0)>
module attributes {stable_mosaic.version = 14 : i64} {
  func.func @embed_kernel(%arg0: i32, %arg1: i32, %arg2: memref<32x50x128xi32, #tpu.memory_space<hbm>>, %arg3: memref<32x50x128xi32, #tpu.memory_space<hbm>>, %arg4: memref<100000x384xf32, #tpu.memory_space<hbm>>, %arg5: memref<1000x128xf32, #tpu.memory_space<hbm>>, %arg6: memref<204800x384xf32, #tpu.memory_space<hbm>>, %arg7: memref<204800x128xf32, #tpu.memory_space<hbm>>, %arg8: memref<50x128xi32, #tpu.memory_space<vmem>>, %arg9: memref<50x128xi32, #tpu.memory_space<vmem>>, %arg10: memref<128x384xf32, #tpu.memory_space<vmem>>, %arg11: memref<128x128xf32, #tpu.memory_space<vmem>>, %arg12: memref<!tpu.dma_semaphore, #tpu.memory_space<semaphore_mem>>) attributes {dimension_semantics = [#tpu.dimension_semantics<core_parallel>, #tpu.dimension_semantics<subcore_parallel>], iteration_bounds = array<i64: 2, 16>, scalar_prefetch = 0 : i64, scratch_operands = 5 : i64, tpu.core_type = #tpu.core_type<sc_vector_subcore>, window_params = [{transform_indices = #map}, {transform_indices = #map}, {transform_indices = #map1}, {transform_indices = #map1}, {transform_indices = #map1}, {transform_indices = #map1}]} {
    %mul3A = arith.constant 2 : i32
    %mul3A_0 = arith.muli %arg1, %mul3A : i32
    %add3A = arith.addi %mul3A_0, %arg0 : i32
    %mul3A_1 = arith.constant 6400 : i32
    %mul3A_2 = arith.muli %add3A, %mul3A_1 : i32
    "tpu.region"() ({
      %run_scoped3A = tpu.sem_alloc : memref<!tpu.dma_semaphore, #tpu.memory_space<semaphore_mem>>
      %dma_start3A = arith.constant 0 : i32
      %dma_start3A_8 = arith.constant 0 : i32
      %dma_start3A_9 = tpu.memref_slice %arg2[%add3A, %dma_start3A, %dma_start3A_8] : memref<32x50x128xi32, #tpu.memory_space<hbm>> -> memref<1x50x128xi32, #tpu.memory_space<hbm>>
      %dma_start3A_10 = tpu.memref_squeeze %dma_start3A_9 : memref<1x50x128xi32, #tpu.memory_space<hbm>> -> memref<50x128xi32, #tpu.memory_space<hbm>>
      %dma_start3A_11 = arith.constant 0 : i32
      %dma_start3A_12 = arith.constant 0 : i32
      %dma_start3A_13 = tpu.memref_slice %arg2[%add3A, %dma_start3A_11, %dma_start3A_12] : memref<32x50x128xi32, #tpu.memory_space<hbm>> -> memref<1x50x128xi32, #tpu.memory_space<hbm>>
      %dma_start3A_14 = tpu.memref_squeeze %dma_start3A_13 : memref<1x50x128xi32, #tpu.memory_space<hbm>> -> memref<50x128xi32, #tpu.memory_space<hbm>>
      tpu.enqueue_dma source(%dma_start3A_14 : memref<50x128xi32, #tpu.memory_space<hbm>>) target(%arg8 : memref<50x128xi32, #tpu.memory_space<vmem>>) target_semaphore(%run_scoped3A : memref<!tpu.dma_semaphore, #tpu.memory_space<semaphore_mem>>)
      %dma_wait3A = arith.constant 0 : i32
      %dma_wait3A_15 = arith.constant 0 : i32
      %dma_wait3A_16 = tpu.memref_slice %arg2[%add3A, %dma_wait3A, %dma_wait3A_15] : memref<32x50x128xi32, #tpu.memory_space<hbm>> -> memref<1x50x128xi32, #tpu.memory_space<hbm>>
      %dma_wait3A_17 = tpu.memref_squeeze %dma_wait3A_16 : memref<1x50x128xi32, #tpu.memory_space<hbm>> -> memref<50x128xi32, #tpu.memory_space<hbm>>
      %dma_wait3A_18 = arith.constant 0 : i32
      %dma_wait3A_19 = arith.constant 0 : i32
      %dma_wait3A_20 = tpu.memref_slice %arg2[%add3A, %dma_wait3A_18, %dma_wait3A_19] : memref<32x50x128xi32, #tpu.memory_space<hbm>> -> memref<1x50x128xi32, #tpu.memory_space<hbm>>
      %dma_wait3A_21 = tpu.memref_squeeze %dma_wait3A_20 : memref<1x50x128xi32, #tpu.memory_space<hbm>> -> memref<50x128xi32, #tpu.memory_space<hbm>>
      tpu.wait_dma2 semaphore(%run_scoped3A : memref<!tpu.dma_semaphore, #tpu.memory_space<semaphore_mem>>) src(%dma_wait3A_21 : memref<50x128xi32, #tpu.memory_space<hbm>>) dst(%arg8 : memref<50x128xi32, #tpu.memory_space<vmem>>)
      tpu.yield
    }) : () -> ()
    "tpu.region"() ({
      %run_scoped3A = tpu.sem_alloc : memref<!tpu.dma_semaphore, #tpu.memory_space<semaphore_mem>>
      %dma_start3A = arith.constant 0 : i32
      %dma_start3A_8 = arith.constant 0 : i32
      %dma_start3A_9 = tpu.memref_slice %arg3[%add3A, %dma_start3A, %dma_start3A_8] : memref<32x50x128xi32, #tpu.memory_space<hbm>> -> memref<1x50x128xi32, #tpu.memory_space<hbm>>
      %dma_start3A_10 = tpu.memref_squeeze %dma_start3A_9 : memref<1x50x128xi32, #tpu.memory_space<hbm>> -> memref<50x128xi32, #tpu.memory_space<hbm>>
      %dma_start3A_11 = arith.constant 0 : i32
      %dma_start3A_12 = arith.constant 0 : i32
      %dma_start3A_13 = tpu.memref_slice %arg3[%add3A, %dma_start3A_11, %dma_start3A_12] : memref<32x50x128xi32, #tpu.memory_space<hbm>> -> memref<1x50x128xi32, #tpu.memory_space<hbm>>
      %dma_start3A_14 = tpu.memref_squeeze %dma_start3A_13 : memref<1x50x128xi32, #tpu.memory_space<hbm>> -> memref<50x128xi32, #tpu.memory_space<hbm>>
      tpu.enqueue_dma source(%dma_start3A_14 : memref<50x128xi32, #tpu.memory_space<hbm>>) target(%arg9 : memref<50x128xi32, #tpu.memory_space<vmem>>) target_semaphore(%run_scoped3A : memref<!tpu.dma_semaphore, #tpu.memory_space<semaphore_mem>>)
      %dma_wait3A = arith.constant 0 : i32
      %dma_wait3A_15 = arith.constant 0 : i32
      %dma_wait3A_16 = tpu.memref_slice %arg3[%add3A, %dma_wait3A, %dma_wait3A_15] : memref<32x50x128xi32, #tpu.memory_space<hbm>> -> memref<1x50x128xi32, #tpu.memory_space<hbm>>
      %dma_wait3A_17 = tpu.memref_squeeze %dma_wait3A_16 : memref<1x50x128xi32, #tpu.memory_space<hbm>> -> memref<50x128xi32, #tpu.memory_space<hbm>>
      %dma_wait3A_18 = arith.constant 0 : i32
      %dma_wait3A_19 = arith.constant 0 : i32
      %dma_wait3A_20 = tpu.memref_slice %arg3[%add3A, %dma_wait3A_18, %dma_wait3A_19] : memref<32x50x128xi32, #tpu.memory_space<hbm>> -> memref<1x50x128xi32, #tpu.memory_space<hbm>>
      %dma_wait3A_21 = tpu.memref_squeeze %dma_wait3A_20 : memref<1x50x128xi32, #tpu.memory_space<hbm>> -> memref<50x128xi32, #tpu.memory_space<hbm>>
      tpu.wait_dma2 semaphore(%run_scoped3A : memref<!tpu.dma_semaphore, #tpu.memory_space<semaphore_mem>>) src(%dma_wait3A_21 : memref<50x128xi32, #tpu.memory_space<hbm>>) dst(%arg9 : memref<50x128xi32, #tpu.memory_space<vmem>>)
      tpu.yield
    }) : () -> ()
    %scan3A = arith.constant 0 : i32
    %scan3A_3 = arith.constant 0 : i32
    %scan3A_4 = arith.constant 50 : i32
    %scan3A_5 = arith.addi %scan3A_3, %scan3A_4 : i32
    %scan3A_6 = arith.constant 1 : i32
    scf.for %scan3A_8 = %scan3A_3 to %scan3A_5 step %scan3A_6  : i32 {
      %mul3A_9 = arith.constant 128 : i32
      %mul3A_10 = arith.muli %scan3A_8, %mul3A_9 : i32
      %add3A_11 = arith.addi %mul3A_2, %mul3A_10 : i32
      %dma_start3A = arith.constant 0 : i32
      %dma_start3A_12 = tpu.memref_slice %arg8[%scan3A_8, %dma_start3A] : memref<50x128xi32, #tpu.memory_space<vmem>> -> memref<1x128xi32, #tpu.memory_space<vmem>>
      %dma_start3A_13 = tpu.memref_squeeze %dma_start3A_12 : memref<1x128xi32, #tpu.memory_space<vmem>> -> memref<128xi32, #tpu.memory_space<vmem>>
      %dma_start3A_14 = arith.constant 0 : i32
      %dma_start3A_15 = arith.constant 0 : i32
      %dma_start3A_16 = tpu.memref_slice %arg4[%dma_start3A_14, %dma_start3A_15] : memref<100000x384xf32, #tpu.memory_space<hbm>> -> memref<100000x384xf32, #tpu.memory_space<hbm>>
      tpu.enqueue_indirect_dma source(%dma_start3A_16 : memref<100000x384xf32, #tpu.memory_space<hbm>>) target(%arg10 : memref<128x384xf32, #tpu.memory_space<vmem>>) offsets(%dma_start3A_13 : memref<128xi32, #tpu.memory_space<vmem>>) semaphore(%arg12 : memref<!tpu.dma_semaphore, #tpu.memory_space<semaphore_mem>>)
      %dma_wait3A = arith.constant 0 : i32
      %dma_wait3A_17 = tpu.memref_slice %arg8[%scan3A_8, %dma_wait3A] : memref<50x128xi32, #tpu.memory_space<vmem>> -> memref<1x128xi32, #tpu.memory_space<vmem>>
      %dma_wait3A_18 = tpu.memref_squeeze %dma_wait3A_17 : memref<1x128xi32, #tpu.memory_space<vmem>> -> memref<128xi32, #tpu.memory_space<vmem>>
      %dma_wait3A_19 = arith.constant 0 : i32
      %dma_wait3A_20 = arith.constant 0 : i32
      %dma_wait3A_21 = tpu.memref_slice %arg4[%dma_wait3A_19, %dma_wait3A_20] : memref<100000x384xf32, #tpu.memory_space<hbm>> -> memref<100000x384xf32, #tpu.memory_space<hbm>>
      tpu.wait_indirect_dma semaphore(%arg12 : memref<!tpu.dma_semaphore, #tpu.memory_space<semaphore_mem>>) src(%dma_wait3A_21 : memref<100000x384xf32, #tpu.memory_space<hbm>>) dst(%arg10 : memref<128x384xf32, #tpu.memory_space<vmem>>)
      "tpu.region"() ({
        %run_scoped3A = tpu.sem_alloc : memref<!tpu.dma_semaphore, #tpu.memory_space<semaphore_mem>>
        %dma_start3A_34 = arith.constant 0 : i32
        %dma_start3A_35 = tpu.memref_slice %arg6[%add3A_11, %dma_start3A_34] : memref<204800x384xf32, #tpu.memory_space<hbm>> -> memref<128x384xf32, #tpu.memory_space<hbm>>
        %dma_start3A_36 = arith.constant 0 : i32
        %dma_start3A_37 = tpu.memref_slice %arg6[%add3A_11, %dma_start3A_36] : memref<204800x384xf32, #tpu.memory_space<hbm>> -> memref<128x384xf32, #tpu.memory_space<hbm>>
        tpu.enqueue_dma source(%arg10 : memref<128x384xf32, #tpu.memory_space<vmem>>) target(%dma_start3A_37 : memref<128x384xf32, #tpu.memory_space<hbm>>) target_semaphore(%run_scoped3A : memref<!tpu.dma_semaphore, #tpu.memory_space<semaphore_mem>>)
        %dma_wait3A_38 = arith.constant 0 : i32
        %dma_wait3A_39 = tpu.memref_slice %arg6[%add3A_11, %dma_wait3A_38] : memref<204800x384xf32, #tpu.memory_space<hbm>> -> memref<128x384xf32, #tpu.memory_space<hbm>>
        %dma_wait3A_40 = arith.constant 0 : i32
        %dma_wait3A_41 = tpu.memref_slice %arg6[%add3A_11, %dma_wait3A_40] : memref<204800x384xf32, #tpu.memory_space<hbm>> -> memref<128x384xf32, #tpu.memory_space<hbm>>
        tpu.wait_dma2 semaphore(%run_scoped3A : memref<!tpu.dma_semaphore, #tpu.memory_space<semaphore_mem>>) src(%arg10 : memref<128x384xf32, #tpu.memory_space<vmem>>) dst(%dma_wait3A_41 : memref<128x384xf32, #tpu.memory_space<hbm>>)
        tpu.yield
      }) : () -> ()
      %dma_start3A_22 = arith.constant 0 : i32
      %dma_start3A_23 = tpu.memref_slice %arg9[%scan3A_8, %dma_start3A_22] : memref<50x128xi32, #tpu.memory_space<vmem>> -> memref<1x128xi32, #tpu.memory_space<vmem>>
      %dma_start3A_24 = tpu.memref_squeeze %dma_start3A_23 : memref<1x128xi32, #tpu.memory_space<vmem>> -> memref<128xi32, #tpu.memory_space<vmem>>
      %dma_start3A_25 = arith.constant 0 : i32
      %dma_start3A_26 = arith.constant 0 : i32
      %dma_start3A_27 = tpu.memref_slice %arg5[%dma_start3A_25, %dma_start3A_26] : memref<1000x128xf32, #tpu.memory_space<hbm>> -> memref<1000x128xf32, #tpu.memory_space<hbm>>
      tpu.enqueue_indirect_dma source(%dma_start3A_27 : memref<1000x128xf32, #tpu.memory_space<hbm>>) target(%arg11 : memref<128x128xf32, #tpu.memory_space<vmem>>) offsets(%dma_start3A_24 : memref<128xi32, #tpu.memory_space<vmem>>) semaphore(%arg12 : memref<!tpu.dma_semaphore, #tpu.memory_space<semaphore_mem>>)
      %dma_wait3A_28 = arith.constant 0 : i32
      %dma_wait3A_29 = tpu.memref_slice %arg9[%scan3A_8, %dma_wait3A_28] : memref<50x128xi32, #tpu.memory_space<vmem>> -> memref<1x128xi32, #tpu.memory_space<vmem>>
      %dma_wait3A_30 = tpu.memref_squeeze %dma_wait3A_29 : memref<1x128xi32, #tpu.memory_space<vmem>> -> memref<128xi32, #tpu.memory_space<vmem>>
      %dma_wait3A_31 = arith.constant 0 : i32
      %dma_wait3A_32 = arith.constant 0 : i32
      %dma_wait3A_33 = tpu.memref_slice %arg5[%dma_wait3A_31, %dma_wait3A_32] : memref<1000x128xf32, #tpu.memory_space<hbm>> -> memref<1000x128xf32, #tpu.memory_space<hbm>>
      tpu.wait_indirect_dma semaphore(%arg12 : memref<!tpu.dma_semaphore, #tpu.memory_space<semaphore_mem>>) src(%dma_wait3A_33 : memref<1000x128xf32, #tpu.memory_space<hbm>>) dst(%arg11 : memref<128x128xf32, #tpu.memory_space<vmem>>)
      "tpu.region"() ({
        %run_scoped3A = tpu.sem_alloc : memref<!tpu.dma_semaphore, #tpu.memory_space<semaphore_mem>>
        %dma_start3A_34 = arith.constant 0 : i32
        %dma_start3A_35 = tpu.memref_slice %arg7[%add3A_11, %dma_start3A_34] : memref<204800x128xf32, #tpu.memory_space<hbm>> -> memref<128x128xf32, #tpu.memory_space<hbm>>
        %dma_start3A_36 = arith.constant 0 : i32
        %dma_start3A_37 = tpu.memref_slice %arg7[%add3A_11, %dma_start3A_36] : memref<204800x128xf32, #tpu.memory_space<hbm>> -> memref<128x128xf32, #tpu.memory_space<hbm>>
        tpu.enqueue_dma source(%arg11 : memref<128x128xf32, #tpu.memory_space<vmem>>) target(%dma_start3A_37 : memref<128x128xf32, #tpu.memory_space<hbm>>) target_semaphore(%run_scoped3A : memref<!tpu.dma_semaphore, #tpu.memory_space<semaphore_mem>>)
        %dma_wait3A_38 = arith.constant 0 : i32
        %dma_wait3A_39 = tpu.memref_slice %arg7[%add3A_11, %dma_wait3A_38] : memref<204800x128xf32, #tpu.memory_space<hbm>> -> memref<128x128xf32, #tpu.memory_space<hbm>>
        %dma_wait3A_40 = arith.constant 0 : i32
        %dma_wait3A_41 = tpu.memref_slice %arg7[%add3A_11, %dma_wait3A_40] : memref<204800x128xf32, #tpu.memory_space<hbm>> -> memref<128x128xf32, #tpu.memory_space<hbm>>
        tpu.wait_dma2 semaphore(%run_scoped3A : memref<!tpu.dma_semaphore, #tpu.memory_space<semaphore_mem>>) src(%arg11 : memref<128x128xf32, #tpu.memory_space<vmem>>) dst(%dma_wait3A_41 : memref<128x128xf32, #tpu.memory_space<hbm>>)
        tpu.yield
      }) : () -> ()
    }
    %scan3A_7 = arith.constant 50 : i32
    return
  }
}

module attributes {stable_mosaic.version = 14 : i64} {
  func.func @_pad_body(%arg0: i32, %arg1: memref<1000x300xf32, #tpu.memory_space<vmem>>, %arg2: memref<1000x384xf32, #tpu.memory_space<vmem>>) attributes {dimension_semantics = [#tpu.dimension_semantics<arbitrary>], iteration_bounds = array<i64: 100>, scalar_prefetch = 0 : i64, scratch_operands = 0 : i64, tpu.core_type = #tpu.core_type<tc>, window_params = [{transform_indices = @transform_0, window_bounds = array<i64: 1000, 300>}, {transform_indices = @transform_1, window_bounds = array<i64: 1000, 384>}]} {
    %get3A = arith.constant 0 : index
    %get3A_0 = arith.constant 0 : index
    %get3A_1 = vector.load %arg1[%get3A, %get3A_0] : memref<1000x300xf32, #tpu.memory_space<vmem>>, vector<1000x300xf32>
    %swap3A = arith.constant 0 : index
    %swap3A_2 = arith.constant 0 : index
    %swap3A_3 = vector.load %arg2[%swap3A, %swap3A_2] : memref<1000x384xf32, #tpu.memory_space<vmem>>, vector<1000x300xf32>
    tpu.vector_store %arg2[%swap3A, %swap3A_2], %get3A_1 {strides = array<i32>} : memref<1000x384xf32, #tpu.memory_space<vmem>>, vector<1000x300xf32>,
    %broadcast_in_dim3A = arith.constant 0.000000e+00 : f32
    %broadcast_in_dim3A_4 = vector.broadcast %broadcast_in_dim3A : f32 to vector<1000x84xf32>
    %swap3A_5 = arith.constant 0 : index
    %swap3A_6 = arith.constant 300 : index
    %swap3A_7 = vector.load %arg2[%swap3A_5, %swap3A_6] : memref<1000x384xf32, #tpu.memory_space<vmem>>, vector<1000x84xf32>
    tpu.vector_store %arg2[%swap3A_5, %swap3A_6], %broadcast_in_dim3A_4 {strides = array<i32>} : memref<1000x384xf32, #tpu.memory_space<vmem>>, vector<1000x84xf32>,
    return
  }
  func.func @transform_0(%arg0: i32) -> (i32, i32) {
    %c0_i32 = arith.constant 0 : i32
    %c0_i32_0 = arith.constant 0 : i32
    return %arg0, %c0_i32 : i32, i32
  }
  func.func @transform_1(%arg0: i32) -> (i32, i32) {
    %c0_i32 = arith.constant 0 : i32
    %c0_i32_0 = arith.constant 0 : i32
    return %arg0, %c0_i32 : i32, i32
  }
}

module attributes {stable_mosaic.version = 14 : i64} {
  func.func @body(%arg0: i32, %arg1: memref<1x400x128xf32, #tpu.memory_space<vmem>>, %arg2: memref<1x8x50x64xf32, #tpu.memory_space<vmem>>) attributes {dimension_semantics = [#tpu.dimension_semantics<arbitrary>], iteration_bounds = array<i64: 512>, scalar_prefetch = 0 : i64, scratch_operands = 0 : i64, tpu.core_type = #tpu.core_type<tc>, window_params = [{transform_indices = @transform_0, window_bounds = array<i64: 1, 400, 128>}, {transform_indices = @transform_1, window_bounds = array<i64: 1, 8, 50, 64>}]} {
    %get3A = arith.constant 0 : index
    %get3A_0 = arith.constant 0 : index
    %get3A_1 = arith.constant 0 : index
    %get3A_2 = vector.load %arg1[%get3A, %get3A_0, %get3A_1] : memref<1x400x128xf32, #tpu.memory_space<vmem>>, vector<1x50x64xf32>
    %get3A_3 = vector.shape_cast %get3A_2 : vector<1x50x64xf32> to vector<50x64xf32>
    %swap3A = arith.constant 0 : index
    %swap3A_4 = arith.constant 0 : index
    %swap3A_5 = arith.constant 0 : index
    %swap3A_6 = arith.constant 0 : index
    %swap3A_7 = vector.load %arg2[%swap3A, %swap3A_4, %swap3A_5, %swap3A_6] : memref<1x8x50x64xf32, #tpu.memory_space<vmem>>, vector<1x1x50x64xf32>
    %swap3A_8 = vector.shape_cast %swap3A_7 : vector<1x1x50x64xf32> to vector<50x64xf32>
    %swap3A_9 = vector.shape_cast %get3A_3 : vector<50x64xf32> to vector<1x1x50x64xf32>
    tpu.vector_store %arg2[%swap3A, %swap3A_4, %swap3A_5, %swap3A_6], %swap3A_9 {strides = array<i32>} : memref<1x8x50x64xf32, #tpu.memory_space<vmem>>, vector<1x1x50x64xf32>,
    %get3A_10 = arith.constant 0 : index
    %get3A_11 = arith.constant 50 : index
    %get3A_12 = arith.constant 0 : index
    %get3A_13 = vector.load %arg1[%get3A_10, %get3A_11, %get3A_12] : memref<1x400x128xf32, #tpu.memory_space<vmem>>, vector<1x50x64xf32>
    %get3A_14 = vector.shape_cast %get3A_13 : vector<1x50x64xf32> to vector<50x64xf32>
    %swap3A_15 = arith.constant 0 : index
    %swap3A_16 = arith.constant 1 : index
    %swap3A_17 = arith.constant 0 : index
    %swap3A_18 = arith.constant 0 : index
    %swap3A_19 = vector.load %arg2[%swap3A_15, %swap3A_16, %swap3A_17, %swap3A_18] : memref<1x8x50x64xf32, #tpu.memory_space<vmem>>, vector<1x1x50x64xf32>
    %swap3A_20 = vector.shape_cast %swap3A_19 : vector<1x1x50x64xf32> to vector<50x64xf32>
    %swap3A_21 = vector.shape_cast %get3A_14 : vector<50x64xf32> to vector<1x1x50x64xf32>
    tpu.vector_store %arg2[%swap3A_15, %swap3A_16, %swap3A_17, %swap3A_18], %swap3A_21 {strides = array<i32>} : memref<1x8x50x64xf32, #tpu.memory_space<vmem>>, vector<1x1x50x64xf32>,
    %get3A_22 = arith.constant 0 : index
    %get3A_23 = arith.constant 100 : index
    %get3A_24 = arith.constant 0 : index
    %get3A_25 = vector.load %arg1[%get3A_22, %get3A_23, %get3A_24] : memref<1x400x128xf32, #tpu.memory_space<vmem>>, vector<1x50x64xf32>
    %get3A_26 = vector.shape_cast %get3A_25 : vector<1x50x64xf32> to vector<50x64xf32>
    %swap3A_27 = arith.constant 0 : index
    %swap3A_28 = arith.constant 2 : index
    %swap3A_29 = arith.constant 0 : index
    %swap3A_30 = arith.constant 0 : index
    %swap3A_31 = vector.load %arg2[%swap3A_27, %swap3A_28, %swap3A_29, %swap3A_30] : memref<1x8x50x64xf32, #tpu.memory_space<vmem>>, vector<1x1x50x64xf32>
    %swap3A_32 = vector.shape_cast %swap3A_31 : vector<1x1x50x64xf32> to vector<50x64xf32>
    %swap3A_33 = vector.shape_cast %get3A_26 : vector<50x64xf32> to vector<1x1x50x64xf32>
    tpu.vector_store %arg2[%swap3A_27, %swap3A_28, %swap3A_29, %swap3A_30], %swap3A_33 {strides = array<i32>} : memref<1x8x50x64xf32, #tpu.memory_space<vmem>>, vector<1x1x50x64xf32>,
    %get3A_34 = arith.constant 0 : index
    %get3A_35 = arith.constant 150 : index
    %get3A_36 = arith.constant 0 : index
    %get3A_37 = vector.load %arg1[%get3A_34, %get3A_35, %get3A_36] : memref<1x400x128xf32, #tpu.memory_space<vmem>>, vector<1x50x64xf32>
    %get3A_38 = vector.shape_cast %get3A_37 : vector<1x50x64xf32> to vector<50x64xf32>
    %swap3A_39 = arith.constant 0 : index
    %swap3A_40 = arith.constant 3 : index
    %swap3A_41 = arith.constant 0 : index
    %swap3A_42 = arith.constant 0 : index
    %swap3A_43 = vector.load %arg2[%swap3A_39, %swap3A_40, %swap3A_41, %swap3A_42] : memref<1x8x50x64xf32, #tpu.memory_space<vmem>>, vector<1x1x50x64xf32>
    %swap3A_44 = vector.shape_cast %swap3A_43 : vector<1x1x50x64xf32> to vector<50x64xf32>
    %swap3A_45 = vector.shape_cast %get3A_38 : vector<50x64xf32> to vector<1x1x50x64xf32>
    tpu.vector_store %arg2[%swap3A_39, %swap3A_40, %swap3A_41, %swap3A_42], %swap3A_45 {strides = array<i32>} : memref<1x8x50x64xf32, #tpu.memory_space<vmem>>, vector<1x1x50x64xf32>,
    %get3A_46 = arith.constant 0 : index
    %get3A_47 = arith.constant 200 : index
    %get3A_48 = arith.constant 0 : index
    %get3A_49 = vector.load %arg1[%get3A_46, %get3A_47, %get3A_48] : memref<1x400x128xf32, #tpu.memory_space<vmem>>, vector<1x50x64xf32>
    %get3A_50 = vector.shape_cast %get3A_49 : vector<1x50x64xf32> to vector<50x64xf32>
    %swap3A_51 = arith.constant 0 : index
    %swap3A_52 = arith.constant 4 : index
    %swap3A_53 = arith.constant 0 : index
    %swap3A_54 = arith.constant 0 : index
    %swap3A_55 = vector.load %arg2[%swap3A_51, %swap3A_52, %swap3A_53, %swap3A_54] : memref<1x8x50x64xf32, #tpu.memory_space<vmem>>, vector<1x1x50x64xf32>
    %swap3A_56 = vector.shape_cast %swap3A_55 : vector<1x1x50x64xf32> to vector<50x64xf32>
    %swap3A_57 = vector.shape_cast %get3A_50 : vector<50x64xf32> to vector<1x1x50x64xf32>
    tpu.vector_store %arg2[%swap3A_51, %swap3A_52, %swap3A_53, %swap3A_54], %swap3A_57 {strides = array<i32>} : memref<1x8x50x64xf32, #tpu.memory_space<vmem>>, vector<1x1x50x64xf32>,
    %get3A_58 = arith.constant 0 : index
    %get3A_59 = arith.constant 250 : index
    %get3A_60 = arith.constant 0 : index
    %get3A_61 = vector.load %arg1[%get3A_58, %get3A_59, %get3A_60] : memref<1x400x128xf32, #tpu.memory_space<vmem>>, vector<1x50x64xf32>
    %get3A_62 = vector.shape_cast %get3A_61 : vector<1x50x64xf32> to vector<50x64xf32>
    %swap3A_63 = arith.constant 0 : index
    %swap3A_64 = arith.constant 5 : index
    %swap3A_65 = arith.constant 0 : index
    %swap3A_66 = arith.constant 0 : index
    %swap3A_67 = vector.load %arg2[%swap3A_63, %swap3A_64, %swap3A_65, %swap3A_66] : memref<1x8x50x64xf32, #tpu.memory_space<vmem>>, vector<1x1x50x64xf32>
    %swap3A_68 = vector.shape_cast %swap3A_67 : vector<1x1x50x64xf32> to vector<50x64xf32>
    %swap3A_69 = vector.shape_cast %get3A_62 : vector<50x64xf32> to vector<1x1x50x64xf32>
    tpu.vector_store %arg2[%swap3A_63, %swap3A_64, %swap3A_65, %swap3A_66], %swap3A_69 {strides = array<i32>} : memref<1x8x50x64xf32, #tpu.memory_space<vmem>>, vector<1x1x50x64xf32>,
    %get3A_70 = arith.constant 0 : index
    %get3A_71 = arith.constant 300 : index
    %get3A_72 = arith.constant 0 : index
    %get3A_73 = vector.load %arg1[%get3A_70, %get3A_71, %get3A_72] : memref<1x400x128xf32, #tpu.memory_space<vmem>>, vector<1x50x64xf32>
    %get3A_74 = vector.shape_cast %get3A_73 : vector<1x50x64xf32> to vector<50x64xf32>
    %swap3A_75 = arith.constant 0 : index
    %swap3A_76 = arith.constant 6 : index
    %swap3A_77 = arith.constant 0 : index
    %swap3A_78 = arith.constant 0 : index
    %swap3A_79 = vector.load %arg2[%swap3A_75, %swap3A_76, %swap3A_77, %swap3A_78] : memref<1x8x50x64xf32, #tpu.memory_space<vmem>>, vector<1x1x50x64xf32>
    %swap3A_80 = vector.shape_cast %swap3A_79 : vector<1x1x50x64xf32> to vector<50x64xf32>
    %swap3A_81 = vector.shape_cast %get3A_74 : vector<50x64xf32> to vector<1x1x50x64xf32>
    tpu.vector_store %arg2[%swap3A_75, %swap3A_76, %swap3A_77, %swap3A_78], %swap3A_81 {strides = array<i32>} : memref<1x8x50x64xf32, #tpu.memory_space<vmem>>, vector<1x1x50x64xf32>,
    %get3A_82 = arith.constant 0 : index
    %get3A_83 = arith.constant 350 : index
    %get3A_84 = arith.constant 0 : index
    %get3A_85 = vector.load %arg1[%get3A_82, %get3A_83, %get3A_84] : memref<1x400x128xf32, #tpu.memory_space<vmem>>, vector<1x50x64xf32>
    %get3A_86 = vector.shape_cast %get3A_85 : vector<1x50x64xf32> to vector<50x64xf32>
    %swap3A_87 = arith.constant 0 : index
    %swap3A_88 = arith.constant 7 : index
    %swap3A_89 = arith.constant 0 : index
    %swap3A_90 = arith.constant 0 : index
    %swap3A_91 = vector.load %arg2[%swap3A_87, %swap3A_88, %swap3A_89, %swap3A_90] : memref<1x8x50x64xf32, #tpu.memory_space<vmem>>, vector<1x1x50x64xf32>
    %swap3A_92 = vector.shape_cast %swap3A_91 : vector<1x1x50x64xf32> to vector<50x64xf32>
    %swap3A_93 = vector.shape_cast %get3A_86 : vector<50x64xf32> to vector<1x1x50x64xf32>
    tpu.vector_store %arg2[%swap3A_87, %swap3A_88, %swap3A_89, %swap3A_90], %swap3A_93 {strides = array<i32>} : memref<1x8x50x64xf32, #tpu.memory_space<vmem>>, vector<1x1x50x64xf32>,
    return
  }
  func.func @transform_0(%arg0: i32) -> (i32, i32, i32) {
    %c0_i32 = arith.constant 0 : i32
    %c0_i32_0 = arith.constant 0 : i32
    %c0_i32_1 = arith.constant 0 : i32
    return %arg0, %c0_i32, %c0_i32_0 : i32, i32, i32
  }
  func.func @transform_1(%arg0: i32) -> (i32, i32, i32, i32) {
    %c0_i32 = arith.constant 0 : i32
    %c0_i32_0 = arith.constant 0 : i32
    %c0_i32_1 = arith.constant 0 : i32
    %c0_i32_2 = arith.constant 0 : i32
    return %arg0, %c0_i32, %c0_i32_0, %c0_i32_1 : i32, i32, i32, i32
  }
}

module attributes {stable_mosaic.version = 14 : i64} {
  func.func @body(%arg0: i32, %arg1: memref<1x400x384xf32, #tpu.memory_space<vmem>>, %arg2: memref<1x8x50x300xf32, #tpu.memory_space<vmem>>) attributes {dimension_semantics = [#tpu.dimension_semantics<arbitrary>], iteration_bounds = array<i64: 512>, scalar_prefetch = 0 : i64, scratch_operands = 0 : i64, tpu.core_type = #tpu.core_type<tc>, window_params = [{transform_indices = @transform_0, window_bounds = array<i64: 1, 400, 384>}, {transform_indices = @transform_1, window_bounds = array<i64: 1, 8, 50, 300>}]} {
    %get3A = arith.constant 0 : index
    %get3A_0 = arith.constant 0 : index
    %get3A_1 = arith.constant 0 : index
    %get3A_2 = vector.load %arg1[%get3A, %get3A_0, %get3A_1] : memref<1x400x384xf32, #tpu.memory_space<vmem>>, vector<1x50x300xf32>
    %get3A_3 = vector.shape_cast %get3A_2 : vector<1x50x300xf32> to vector<50x300xf32>
    %swap3A = arith.constant 0 : index
    %swap3A_4 = arith.constant 0 : index
    %swap3A_5 = arith.constant 0 : index
    %swap3A_6 = arith.constant 0 : index
    %swap3A_7 = vector.load %arg2[%swap3A, %swap3A_4, %swap3A_5, %swap3A_6] : memref<1x8x50x300xf32, #tpu.memory_space<vmem>>, vector<1x1x50x300xf32>
    %swap3A_8 = vector.shape_cast %swap3A_7 : vector<1x1x50x300xf32> to vector<50x300xf32>
    %swap3A_9 = vector.shape_cast %get3A_3 : vector<50x300xf32> to vector<1x1x50x300xf32>
    tpu.vector_store %arg2[%swap3A, %swap3A_4, %swap3A_5, %swap3A_6], %swap3A_9 {strides = array<i32>} : memref<1x8x50x300xf32, #tpu.memory_space<vmem>>, vector<1x1x50x300xf32>,
    %get3A_10 = arith.constant 0 : index
    %get3A_11 = arith.constant 50 : index
    %get3A_12 = arith.constant 0 : index
    %get3A_13 = vector.load %arg1[%get3A_10, %get3A_11, %get3A_12] : memref<1x400x384xf32, #tpu.memory_space<vmem>>, vector<1x50x300xf32>
    %get3A_14 = vector.shape_cast %get3A_13 : vector<1x50x300xf32> to vector<50x300xf32>
    %swap3A_15 = arith.constant 0 : index
    %swap3A_16 = arith.constant 1 : index
    %swap3A_17 = arith.constant 0 : index
    %swap3A_18 = arith.constant 0 : index
    %swap3A_19 = vector.load %arg2[%swap3A_15, %swap3A_16, %swap3A_17, %swap3A_18] : memref<1x8x50x300xf32, #tpu.memory_space<vmem>>, vector<1x1x50x300xf32>
    %swap3A_20 = vector.shape_cast %swap3A_19 : vector<1x1x50x300xf32> to vector<50x300xf32>
    %swap3A_21 = vector.shape_cast %get3A_14 : vector<50x300xf32> to vector<1x1x50x300xf32>
    tpu.vector_store %arg2[%swap3A_15, %swap3A_16, %swap3A_17, %swap3A_18], %swap3A_21 {strides = array<i32>} : memref<1x8x50x300xf32, #tpu.memory_space<vmem>>, vector<1x1x50x300xf32>,
    %get3A_22 = arith.constant 0 : index
    %get3A_23 = arith.constant 100 : index
    %get3A_24 = arith.constant 0 : index
    %get3A_25 = vector.load %arg1[%get3A_22, %get3A_23, %get3A_24] : memref<1x400x384xf32, #tpu.memory_space<vmem>>, vector<1x50x300xf32>
    %get3A_26 = vector.shape_cast %get3A_25 : vector<1x50x300xf32> to vector<50x300xf32>
    %swap3A_27 = arith.constant 0 : index
    %swap3A_28 = arith.constant 2 : index
    %swap3A_29 = arith.constant 0 : index
    %swap3A_30 = arith.constant 0 : index
    %swap3A_31 = vector.load %arg2[%swap3A_27, %swap3A_28, %swap3A_29, %swap3A_30] : memref<1x8x50x300xf32, #tpu.memory_space<vmem>>, vector<1x1x50x300xf32>
    %swap3A_32 = vector.shape_cast %swap3A_31 : vector<1x1x50x300xf32> to vector<50x300xf32>
    %swap3A_33 = vector.shape_cast %get3A_26 : vector<50x300xf32> to vector<1x1x50x300xf32>
    tpu.vector_store %arg2[%swap3A_27, %swap3A_28, %swap3A_29, %swap3A_30], %swap3A_33 {strides = array<i32>} : memref<1x8x50x300xf32, #tpu.memory_space<vmem>>, vector<1x1x50x300xf32>,
    %get3A_34 = arith.constant 0 : index
    %get3A_35 = arith.constant 150 : index
    %get3A_36 = arith.constant 0 : index
    %get3A_37 = vector.load %arg1[%get3A_34, %get3A_35, %get3A_36] : memref<1x400x384xf32, #tpu.memory_space<vmem>>, vector<1x50x300xf32>
    %get3A_38 = vector.shape_cast %get3A_37 : vector<1x50x300xf32> to vector<50x300xf32>
    %swap3A_39 = arith.constant 0 : index
    %swap3A_40 = arith.constant 3 : index
    %swap3A_41 = arith.constant 0 : index
    %swap3A_42 = arith.constant 0 : index
    %swap3A_43 = vector.load %arg2[%swap3A_39, %swap3A_40, %swap3A_41, %swap3A_42] : memref<1x8x50x300xf32, #tpu.memory_space<vmem>>, vector<1x1x50x300xf32>
    %swap3A_44 = vector.shape_cast %swap3A_43 : vector<1x1x50x300xf32> to vector<50x300xf32>
    %swap3A_45 = vector.shape_cast %get3A_38 : vector<50x300xf32> to vector<1x1x50x300xf32>
    tpu.vector_store %arg2[%swap3A_39, %swap3A_40, %swap3A_41, %swap3A_42], %swap3A_45 {strides = array<i32>} : memref<1x8x50x300xf32, #tpu.memory_space<vmem>>, vector<1x1x50x300xf32>,
    %get3A_46 = arith.constant 0 : index
    %get3A_47 = arith.constant 200 : index
    %get3A_48 = arith.constant 0 : index
    %get3A_49 = vector.load %arg1[%get3A_46, %get3A_47, %get3A_48] : memref<1x400x384xf32, #tpu.memory_space<vmem>>, vector<1x50x300xf32>
    %get3A_50 = vector.shape_cast %get3A_49 : vector<1x50x300xf32> to vector<50x300xf32>
    %swap3A_51 = arith.constant 0 : index
    %swap3A_52 = arith.constant 4 : index
    %swap3A_53 = arith.constant 0 : index
    %swap3A_54 = arith.constant 0 : index
    %swap3A_55 = vector.load %arg2[%swap3A_51, %swap3A_52, %swap3A_53, %swap3A_54] : memref<1x8x50x300xf32, #tpu.memory_space<vmem>>, vector<1x1x50x300xf32>
    %swap3A_56 = vector.shape_cast %swap3A_55 : vector<1x1x50x300xf32> to vector<50x300xf32>
    %swap3A_57 = vector.shape_cast %get3A_50 : vector<50x300xf32> to vector<1x1x50x300xf32>
    tpu.vector_store %arg2[%swap3A_51, %swap3A_52, %swap3A_53, %swap3A_54], %swap3A_57 {strides = array<i32>} : memref<1x8x50x300xf32, #tpu.memory_space<vmem>>, vector<1x1x50x300xf32>,
    %get3A_58 = arith.constant 0 : index
    %get3A_59 = arith.constant 250 : index
    %get3A_60 = arith.constant 0 : index
    %get3A_61 = vector.load %arg1[%get3A_58, %get3A_59, %get3A_60] : memref<1x400x384xf32, #tpu.memory_space<vmem>>, vector<1x50x300xf32>
    %get3A_62 = vector.shape_cast %get3A_61 : vector<1x50x300xf32> to vector<50x300xf32>
    %swap3A_63 = arith.constant 0 : index
    %swap3A_64 = arith.constant 5 : index
    %swap3A_65 = arith.constant 0 : index
    %swap3A_66 = arith.constant 0 : index
    %swap3A_67 = vector.load %arg2[%swap3A_63, %swap3A_64, %swap3A_65, %swap3A_66] : memref<1x8x50x300xf32, #tpu.memory_space<vmem>>, vector<1x1x50x300xf32>
    %swap3A_68 = vector.shape_cast %swap3A_67 : vector<1x1x50x300xf32> to vector<50x300xf32>
    %swap3A_69 = vector.shape_cast %get3A_62 : vector<50x300xf32> to vector<1x1x50x300xf32>
    tpu.vector_store %arg2[%swap3A_63, %swap3A_64, %swap3A_65, %swap3A_66], %swap3A_69 {strides = array<i32>} : memref<1x8x50x300xf32, #tpu.memory_space<vmem>>, vector<1x1x50x300xf32>,
    %get3A_70 = arith.constant 0 : index
    %get3A_71 = arith.constant 300 : index
    %get3A_72 = arith.constant 0 : index
    %get3A_73 = vector.load %arg1[%get3A_70, %get3A_71, %get3A_72] : memref<1x400x384xf32, #tpu.memory_space<vmem>>, vector<1x50x300xf32>
    %get3A_74 = vector.shape_cast %get3A_73 : vector<1x50x300xf32> to vector<50x300xf32>
    %swap3A_75 = arith.constant 0 : index
    %swap3A_76 = arith.constant 6 : index
    %swap3A_77 = arith.constant 0 : index
    %swap3A_78 = arith.constant 0 : index
    %swap3A_79 = vector.load %arg2[%swap3A_75, %swap3A_76, %swap3A_77, %swap3A_78] : memref<1x8x50x300xf32, #tpu.memory_space<vmem>>, vector<1x1x50x300xf32>
    %swap3A_80 = vector.shape_cast %swap3A_79 : vector<1x1x50x300xf32> to vector<50x300xf32>
    %swap3A_81 = vector.shape_cast %get3A_74 : vector<50x300xf32> to vector<1x1x50x300xf32>
    tpu.vector_store %arg2[%swap3A_75, %swap3A_76, %swap3A_77, %swap3A_78], %swap3A_81 {strides = array<i32>} : memref<1x8x50x300xf32, #tpu.memory_space<vmem>>, vector<1x1x50x300xf32>,
    %get3A_82 = arith.constant 0 : index
    %get3A_83 = arith.constant 350 : index
    %get3A_84 = arith.constant 0 : index
    %get3A_85 = vector.load %arg1[%get3A_82, %get3A_83, %get3A_84] : memref<1x400x384xf32, #tpu.memory_space<vmem>>, vector<1x50x300xf32>
    %get3A_86 = vector.shape_cast %get3A_85 : vector<1x50x300xf32> to vector<50x300xf32>
    %swap3A_87 = arith.constant 0 : index
    %swap3A_88 = arith.constant 7 : index
    %swap3A_89 = arith.constant 0 : index
    %swap3A_90 = arith.constant 0 : index
    %swap3A_91 = vector.load %arg2[%swap3A_87, %swap3A_88, %swap3A_89, %swap3A_90] : memref<1x8x50x300xf32, #tpu.memory_space<vmem>>, vector<1x1x50x300xf32>
    %swap3A_92 = vector.shape_cast %swap3A_91 : vector<1x1x50x300xf32> to vector<50x300xf32>
    %swap3A_93 = vector.shape_cast %get3A_86 : vector<50x300xf32> to vector<1x1x50x300xf32>
    tpu.vector_store %arg2[%swap3A_87, %swap3A_88, %swap3A_89, %swap3A_90], %swap3A_93 {strides = array<i32>} : memref<1x8x50x300xf32, #tpu.memory_space<vmem>>, vector<1x1x50x300xf32>,
    return
  }
  func.func @transform_0(%arg0: i32) -> (i32, i32, i32) {
    %c0_i32 = arith.constant 0 : i32
    %c0_i32_0 = arith.constant 0 : i32
    %c0_i32_1 = arith.constant 0 : i32
    return %arg0, %c0_i32, %c0_i32_0 : i32, i32, i32
  }
  func.func @transform_1(%arg0: i32) -> (i32, i32, i32, i32) {
    %c0_i32 = arith.constant 0 : i32
    %c0_i32_0 = arith.constant 0 : i32
    %c0_i32_1 = arith.constant 0 : i32
    %c0_i32_2 = arith.constant 0 : i32
    return %arg0, %c0_i32, %c0_i32_0, %c0_i32_1 : i32, i32, i32, i32
  }
}

</mosaic_0001>

<sc_bundles>
// kernel: kernel.6.cloned.1.call-start
scs
__scs_entry_jumppad:
0x0: {  	(pc) =	sbr.rel $0x88, $3  }
0x1: {  	(tag) =	ssettag $0x0;
	lr =	simm.s32 $0x1  }
0x2: {  	[smem:$0x3F9D] =	sst lr;
	_ =	strace $0xD0000000  }
0x3: {  	_ = 	snop  }
0x4: {  	_ = 	snop  }
0x5: {  	_ = 	snop  }
0x6: {  	_ = 	snop  }
0x7: {  	_ = 	snop  }
__scs_overlays_trampoline_lowered:
0x8: {  	[smem:$0x3FAC] =	sst s0  }
0x9: {  	[smem:$0x3FAD] =	sst s1  }
0xa: {  	[smem:$0x3FAE] =	sst s2  }
0xb: {  	[smem:$0x3FAF] =	sst s3  }
0xc: {  	[smem:$0x3FB0] =	sst s4  }
0xd: {  	[smem:$0x3FB1] =	sst s5  }
0xe: {  	[smem:$0x3FB2] =	sst s6  }
0xf: {  	[smem:$0x3FB3] =	sst s7  }
0x10: {  	[smem:$0x3FB4] =	sst s8  }
0x11: {  	[smem:$0x3FB5] =	sst s9;
	s0 =	simm.s32 @!p0 $0x0  }
0x12: {  	s1 =	sld [smem:$0x3F9B];
	s0 =	simm.s32 @p0 $0x1  }
0x13: {  	[smem:$0x3FB6] =	sst s0;
	s0 =	simm.s32 @!p1 $0x0  }
0x14: {  	s2 =	sld [smem:$0x3F9A];
	s0 =	simm.s32 @p1 $0x1  }
0x15: {  	[smem:$0x3FB7] =	sst s0;
	s0 =	simm.s32 @!p2 $0x0  }
0x16: {  	s3 =	sld [smem:$0x3FDB];
	s0 =	simm.s32 @p2 $0x1  }
0x17: {  	s4 =	simm.s32 $0x1BF5;
	[smem:$0x3FB9] =	sst s0  }
0x18: {  	s0 =	sld [smem:$0x3F9C];
	_ =	swait.ge [sflag:s4], $0x0  }
0x19: {  	s7 =	sld [smem:$0x3F9D]  }
0x1a: {  	s8 =	sadd.s32 $0xFFFFE003, lr  }
0x1b: {  	s9 =	sadd.s32 $0xFFFFFEF7, lr;
	s5 =	simm.s32 $0xFFFFFFFF;
	p2 =	slt.u32 s8, $0xFFFFF086  }
0x1c: {  	p1 =	slt.u32 s9, $0xF7A;
	s5 =	simm.s32 @!p2 $0x0  }
0x1d: {  	s5 =	simm.s32 @p1 $0x1;
	p0 =	seq.s32 s7, s2  }
0x1e: {  	s7 =	smul.u32 @!p0 $0xF7A, s2;
	p2 =	seq.s32 @!p0 s5, $0x0  }
0x1f: {  	s9 =	smul.u32 $0xF7A, s1;
	s8 =	simm.s32 @!p0 $0x1BF5;
	p2 =	por !p2, p0  }
0x20: {  	[sflag:s8] =	ssyncset.s32 @!p0 $0xFFFFF086;
	s6 =	sadd.s32 @!p0 s3, s7;
	s7 =	simm.s32 @!p0 $0x108  }
0x21: {  	s3 =	sadd.s32 s3, s9;
	s6 =	sadd.s32 @!p0 $0x88, s6;
	s7 =	simm.s32 @p2 $0x1082  }
0x22: {  	[simem:s7], [sflag:s8] =	dma.local @!p0 [hbm:s6], $0xF7A  }
0x23: {  	s9 =	sor.u32 $0xD0000000, s2;
	s6 =	simm.s32 $0x108;
	_ =	swait.ge @!p0 [sflag:s8], $0x0  }
0x24: {  	s3 =	sadd.s32 $0x88, s3;
	s6 =	simm.s32 @!p1 $0x1082;
	[sflag:s4] =	ssyncset.s32 $0xFFFFF086  }
0x25: {  	[simem:s6], [sflag:s4] =	dma.local [hbm:s3], $0xF7A  }
0x26: {  	[smem:$0x3F9D] =	sst s1;
	(tag) =	ssettag s2;
	_ =	strace s9  }
0x27: {  	s1 =	sld [smem:$0x3FAD]  }
0x28: {  	s2 =	sld [smem:$0x3FAE]  }
0x29: {  	s4 =	sld [smem:$0x3FB0]  }
0x2a: {  	p0 =	seq.s32 s5, $0x0;
	s5 =	sld [smem:$0x3FB1]  }
0x2b: {  	s6 =	sld [smem:$0x3FB2]  }
0x2c: {  	s7 =	sld [smem:$0x3FB3]  }
0x2d: {  	s3 =	simm.s32 $0x108;
	s8 =	sld [smem:$0x3FB4]  }
0x2e: {  	s3 =	simm.s32 @!p0 $0x1082;
	s9 =	sld [smem:$0x3FB5]  }
0x2f: {  	lr =	sadd.s32 s0, s3;
	s0 =	sld [smem:$0x3FAC]  }
0x30: {  	s3 =	sld [smem:$0x3FAF]  }
0x31: {  	[smem:$0x3FB8] =	sst s10  }
0x32: {  	s10 =	sld [smem:$0x3FB6];
	_ =	sdelay $0x3  }
0x33: {  	p0 =	seq.s32 s10, $0x1;
	s10 =	sld [smem:$0x3FB8];
	_ =	sdelay $0x3  }
0x34: {  	[smem:$0x3FB8] =	sst s10  }
0x35: {  	s10 =	sld [smem:$0x3FB7];
	_ =	sdelay $0x3  }
0x36: {  	p1 =	seq.s32 s10, $0x1;
	s10 =	sld [smem:$0x3FB8];
	_ =	sdelay $0x3  }
0x37: {  	[smem:$0x3FB8] =	sst s10  }
0x38: {  	s10 =	sld [smem:$0x3FB9]  }
0x39: {  	_ = 	snop;
	(pc) =	sbr.ind lr, $3  }
0x3a: {  	_ = 	snop  }
0x3b: {  	_ = 	snop  }
0x3c: {  	p2 =	seq.s32 s10, $0x1;
	s10 =	sld [smem:$0x3FB8]  }
0x3d: {  	_ =	shalt  }
0x3e: {  	_ =	shalt  }
0x3f: {  	_ =	shalt  }
0x40: {  	_ =	shalt  }
0x41: {  	_ =	shalt  }
0x42: {  	_ =	shalt  }
0x43: {  	_ =	shalt  }
0x44: {  	_ =	shalt  }
0x45: {  	_ =	shalt  }
0x46: {  	_ =	shalt  }
0x47: {  	_ =	shalt  }
0x48: {  	_ =	shalt  }
0x49: {  	_ =	shalt  }
0x4a: {  	_ =	shalt  }
0x4b: {  	_ =	shalt  }
0x4c: {  	_ =	shalt  }
0x4d: {  	_ =	shalt  }
0x4e: {  	_ =	shalt  }
0x4f: {  	_ =	shalt  }
0x50: {  	_ =	shalt  }
0x51: {  	_ =	shalt  }
0x52: {  	_ =	shalt  }
0x53: {  	_ =	shalt  }
0x54: {  	_ =	shalt  }
0x55: {  	_ =	shalt  }
0x56: {  	_ =	shalt  }
0x57: {  	_ =	shalt  }
0x58: {  	_ =	shalt  }
0x59: {  	_ =	shalt  }
0x5a: {  	_ =	shalt  }
0x5b: {  	_ =	shalt  }
0x5c: {  	_ =	shalt  }
0x5d: {  	_ =	shalt  }
0x5e: {  	_ =	shalt  }
0x5f: {  	_ =	shalt  }
0x60: {  	_ =	shalt  }
0x61: {  	_ =	shalt  }
0x62: {  	_ =	shalt  }
0x63: {  	_ =	shalt  }
0x64: {  	_ =	shalt  }
0x65: {  	_ =	shalt  }
0x66: {  	_ =	shalt  }
0x67: {  	_ =	shalt  }
0x68: {  	_ =	shalt  }
0x69: {  	_ =	shalt  }
0x6a: {  	_ =	shalt  }
0x6b: {  	_ =	shalt  }
0x6c: {  	_ =	shalt  }
0x6d: {  	_ =	shalt  }
0x6e: {  	_ =	shalt  }
0x6f: {  	_ =	shalt  }
0x70: {  	_ =	shalt  }
0x71: {  	_ =	shalt  }
0x72: {  	_ =	shalt  }
0x73: {  	_ =	shalt  }
0x74: {  	_ =	shalt  }
0x75: {  	_ =	shalt  }
0x76: {  	_ =	shalt  }
0x77: {  	_ =	shalt  }
0x78: {  	_ =	shalt  }
0x79: {  	_ =	shalt  }
0x7a: {  	_ =	shalt  }
0x7b: {  	_ =	shalt  }
0x7c: {  	_ =	shalt  }
0x7d: {  	_ =	shalt  }
0x7e: {  	_ =	shalt  }
0x7f: {  	_ =	shalt  }
0x80: {  	_ =	shalt  }
0x81: {  	_ =	shalt  }
0x82: {  	_ =	shalt  }
0x83: {  	_ =	shalt  }
0x84: {  	_ =	shalt  }
0x85: {  	_ =	shalt  }
0x86: {  	_ =	shalt  }
0x87: {  	_ =	shalt  }
.Lfunc_end0:
.L_simem_size_0:
called_computation.2_lowered:
.L_overlay_start_0:
0x88: {  	s2 =	sld [smem:$0x3FD9]  }
0x89: {  	s3 =	sld [smem:$0x3FFE];
	_ =	sdelay $0x1  }
0x8a: {  	s1 =	srdreg.scid  }
0x8b: {  	s0 =	sand.u32 $0x1, s1  }
0x8c: {  	s14 =	sshll.u32 s0, $0xA;
	s2 =	sadd.s32 s3, s2  }
0x8d: {  	s2 =	sadd.s32 s2, s14  }
0x8e: {  	[smem:$0x3FC4] =	sst s2  }
0x8f: {  	_ = 	snop  }
0x90: {  	s2 =	sld [smem:$0x3FD0];
	_ =	sdelay $0x2  }
0x91: {  	s15 =	simm.s32 $0xB;
	s4 =	simm.s32 $0x10  }
0x92: {  	[smem:s4], [sflag:s15] =	dma.local [hbm:s2], $0x1  }
0x93: {  	_ =	swait.eq [sflag:s15], $0x1  }
0x94: {  	[sflag:s15] =	ssyncset.done $0x0  }
0x95: {  	s16 =	sld [smem:$0x10];
	[sflag:s15] =	ssyncadd.s32 $0xFFFFFFFF  }
0x96: {  	s17 =	sld [smem:$0x11];
	(tm) =	ssettm $0x1  }
0x97: {  	s18 =	sld [smem:$0x3FFB];
	_ =	sdelay $0x3  }
0x98: {  	_ =	strace s18  }
0x99: {  	s4 =	sld [smem:$0x3FFC];
	_ =	sdelay $0x3  }
0x9a: {  	_ =	strace s4  }
0x9b: {  	s4 =	sld [smem:$0x3FFD];
	_ =	sdelay $0x3  }
0x9c: {  	_ =	strace s4  }
0x9d: {  	_ =	strace $0x8FFFFFFF  }
0x9e: {  	s19 =	sld [smem:$0x3FDB];
	_ =	sdelay $0x1  }
0x9f: {  	s5 =	simm.s32 $_scs_section_size  }
0xa0: {  	s6 =	simm.s32 $_size__tile_overlayer_lowered;
	s7 =	simm.s32 $_tile_overlayer_lowered  }
0xa1: {  	s22 =	simm.s32 $0x1BFF;
	s21 =	sshll.u32 s7, $0x1;
	s4 =	sadd.s32 s5, s19  }
0xa2: {  	s8 =	simm.s32 $0x0;
	s20 =	sshll.u32 s6, $0x1;
	s6 =	sadd.s32 s21, s4  }
0xa3: {  	[timem:s8], [sflag:s22] =	dma.local [hbm:s6], s20  }
0xa4: {  	_ =	swait.ge [sflag:s22], s20  }
0xa5: {  	s5 =	ssub.s32 $0x0, s20;
	[sflag:s22] =	ssyncset.done $0x0  }
0xa6: {  	[sflag:s22] =	ssyncadd.s32 s5;
	_ =	sdelay $0x1  }
0xa7: {  	s23 =	simm.s32 $0x1B8B  }
0xa8: {  	_ =	swait.ge [sflag:s23], $0x1  }
0xa9: {  	[sflag:s23] =	ssyncset.done $0x0  }
0xaa: {  	s25 =	simm.s32 $0x1B8E;
	s24 =	sld [smem:$0x3FFE];
	[sflag:s23] =	ssyncadd.s32 $0xFFFFFFFF  }
0xab: {  	s26 =	simm.s32 $execute0_lowered;
	[smem:$0x3FD2] =	sst s25  }
0xac: {  	s6 =	sshll.u32 s26, $0x1;
	_ =	strace $0x80000046;
	[dreg:$0x1] =	wrdreg $0xFFFFFFFF  }
0xad: {  	s28 =	simm.s32 $_size_execute0_lowered;
	s4 =	sadd.s32 s4, s6;
	[dreg:$0x0] =	wrdreg $0x0  }
0xae: {  	s6 =	sshll.u32 s28, $0x1;
	[dreg:$0x2] =	wrdreg s4  }
0xaf: {  	[dreg:$0x3] =	wrdreg s6  }
0xb0: {  	[dreg:$0x4] =	wrdreg $0xC0  }
0xb1: {  	_ =	task [dreg:s8], $0x5FFFF  }
0xb2: {  	[dreg:$0x1] =	wrdreg $0xFFFFFFFF  }
0xb3: {  	[dreg:$0x0] =	wrdreg $0x60  }
0xb4: {  	[dreg:$0x2] =	wrdreg s17  }
0xb5: {  	[dreg:$0x3] =	wrdreg s24  }
0xb6: {  	[dreg:$0x4] =	wrdreg s16  }
0xb7: {  	[dreg:$0x5] =	wrdreg $0x9  }
0xb8: {  	_ =	task.clear_ibuf [dreg:s8], $0x6FFFF;
	_ =	strace $0x90000046  }
0xb9: {  	s29 =	simm.s32 $0x9;
	_ =	strace $0x80000048  }
0xba: {  	_ =	swait.ge [sflag:s29], $0x1  }
0xbb: {  	[sflag:s29] =	ssyncadd.s32 $0xFFFFFFFF  }
0xbc: {  	_ =	strace $0x90000048  }
0xbd: {  	_ =	sfence  }
0xbe: {  	s30 =	sld [smem:$0x0];
	_ =	sdelay $0x2  }
0xbf: {  	s31 =	sshll.u32 s1, $0xD;
	s1 =	sshrl.u32 s1, $0x2  }
0xc0: {  	s3 =	sand.u32 $0x4000, s31;
	s1 =	sadd.s32 s1, s30  }
0xc1: {  	s0 =	sor.u32 s3, s0;
	s1 =	sshll.u32 s1, $0x11  }
0xc2: {  	s0 =	sor.u32 s1, s0  }
0xc3: {  	s0 =	sadd.s32 $0x8F2B, s0  }
0xc4: {  	[sflag:s0] =	ssyncadd.remote.s32 $0x1  }
0xc5: {  	_ =	sfence.sel $0xFFFF  }
0xc6: {  	[dreg:$0x0] =	wrdreg $0xFFFFFFFF;
	(pc) =	sbr.abs _section_cstart, $3  }
0xc7: {  	[dreg:$0x1] =	wrdreg $0xFFFFFFFF  }
0xc8: {  	_ =	task.clear_ibuf [dreg:s8], $0x2FFFF;
	_ =	strace $0x9FFFFFFF  }
0xc9: {  	(tm) =	ssettm $0x7FFFFFFF  }
tec
execute0_lowered:
.L_overlay_start_1:
0x0: {  	(tag) =	ssettag $0x1  }
0x1: {  	s0 =	rddreg [dreg:$0x0];
	s1 =	srdreg.scid  }
0x2: {  	s12 =	stileid.u32;
	s4 =	rddreg [dreg:$0x1]  }
0x3: {  	s5 =	rddreg [dreg:$0x2];
	s2 =	simm.s32 $0x0;
	s23 =	simm.s32 $0x4000  }
0x4: {  	s24 =	simm.s32 $0x4400;
	[smem:$0x7FF] =	sst s2;
	s8 =	sadd.s32 $0x49C400, s4  }
0x5: {  	s25 =	simm.s32 $0x4C00;
	_ =	strace $0x80000047;
	[dreg:$0x4] =	wrdreg s8  }
0x6: {  	s26 =	simm.s32 $0x5000;
	s13 =	simm.s32 $0x5C00;
	[dreg:$0x5] =	wrdreg s23  }
0x7: {  	s15 =	simm.s32 $0x6400;
	s16 =	simm.s32 $0x6800;
	[dreg:$0x6] =	wrdreg s24  }
0x8: {  	s18 =	simm.s32 $0x7000;
	s20 =	simm.s32 $0x7400;
	[dreg:$0x7] =	wrdreg s25  }
0x9: {  	s21 =	simm.s32 $0x7C00;
	s28 =	simm.s32 $0xF400;
	[dreg:$0x8] =	wrdreg s26  }
0xa: {  	s29 =	simm.s32 $0x1;
	s30 =	simm.s32 $0x80;
	[dreg:$0xa] =	wrdreg s13  }
0xb: {  	s31 =	simm.s32 $0xF800;
	s1 =	sand.u32 $0x1, s1;
	[dreg:$0xb] =	wrdreg s15  }
0xc: {  	s3 =	smul.u32 $0x3200, s12;
	s6 =	sshll.u32 s12, $0x1;
	[dreg:$0xc] =	wrdreg s16  }
0xd: {  	s19 =	smul.u32 $0x32000, s12;
	s12 =	simm.s32 $0x3800;
	[dreg:$0xd] =	wrdreg s18  }
0xe: {  	s7 =	smul.u32 $0x1900, s1;
	s6 =	sor.u32 s1, s6;
	[dreg:$0xe] =	wrdreg s20  }
0xf: {  	s10 =	ssub.s32 $0x2, s1;
	s1 =	smul.u32 $0x19000, s1;
	[dreg:$0xf] =	wrdreg s21  }
0x10: {  	s23 =	simm.s32 $0x8800;
	s24 =	simm.s32 $0x8C00;
	s25 =	simm.s32 $0x9400  }
0x11: {  	s26 =	simm.s32 $0x9800;
	s13 =	simm.s32 $0xA000;
	s15 =	simm.s32 $0xAC00  }
0x12: {  	s16 =	simm.s32 $0xB000;
	s18 =	simm.s32 $0xBC00;
	[dreg:$0x11] =	wrdreg s23  }
0x13: {  	s20 =	simm.s32 $0xC800;
	s21 =	simm.s32 $0xD000;
	[dreg:$0x12] =	wrdreg s24  }
0x14: {  	s6 =	smul.u32 $0x380, s6;
	s11 =	sshrl.u32 s10, $0x1;
	[dreg:$0x13] =	wrdreg s25  }
0x15: {  	[dreg:$0x14] =	wrdreg s26;
	s23 =	simm.s32 $0xDC00;
	s24 =	simm.s32 $0xE000  }
0x16: {  	s25 =	simm.s32 $0xE800;
	s26 =	simm.s32 $0xEC00;
	s3 =	sadd.s32 s7, s3  }
0x17: {  	s10 =	ssub.s32 s10, s11;
	s11 =	simm.s32 $0x5800;
	s3 =	sshrl.u32 s3, $0x3  }
0x18: {  	s22 =	sadd.s32 s6, s4;
	s0 =	sadd.s32 s0, s6;
	[dreg:$0x9] =	wrdreg s11  }
0x19: {  	s6 =	sadd.s32 $0x1700, s4;
	s17 =	smax.u32 s10, $0x1;
	[dreg:$0x15] =	wrdreg s0  }
0x1a: {  	s10 =	simm.s32 $0x2;
	s14 =	sadd.s32 $0x495400, s22;
	[dreg:$0x17] =	wrdreg s17  }
0x1b: {  	s9 =	smul.u32 $0x180, s3;
	s22 =	simm.s32 $0x8000;
	[dreg:$0x16] =	wrdreg s14  }
0x1c: {  	s3 =	sadd.s32 $0x1600, s4;
	s17 =	simm.s32 $0xB800;
	[dreg:$0x10] =	wrdreg s22  }
0x1d: {  	v2 =	vlaneseq.u32;
	s14 =	simm.s32 $0xA400;
	s9 =	sadd.s32 s9, s4;
	s4 =	sadd.s32 s19, s5  }
0x1e: {  	vm0 =	vmmov $0xffff;
	vm1 =	vmmov $0xff;
	v1 =	vshrl.u32 v2, $0x3;
	s22 =	simm.s32 $0xD400;
	s19 =	simm.s32 $0xC400;
	s1 =	sadd.s32 s1, s4  }
0x1f: {  	v0 =	vand.u32 $0x7, v2;
	v2 =	vor.u32 $0x8, v2;
	v1 =	vmul.u32 $0x8, v1;
	s0 =	sadd.s32 $0x4A0400, s9;
	[dreg:$0x18] =	wrdreg s1;
	s1 =	simm.s32 $0x0  }
.LBB2_1:
0x20: {  	s4 =	rddreg [dreg:$0x15]  }
0x21: {  	[tilespmem:s2], [sflag:$0x2] =	stream.linear.gather [hbm4b:s4+s2], $0x1900, $0x38;
	[tilespmem:$0x13800] =	vst v63  }
0x22: {  	_ =	swait.ge [sflag:s10], $0x1900  }
0x23: {  	[sflag:s10] =	ssyncset.done $0x0  }
0x24: {  	s5 =	simm.s32 $0x1C00;
	s11 =	rddreg [dreg:$0x16];
	[sflag:s10] =	ssyncadd.s32 $0xFFFFE700  }
0x25: {  	[tilespmem:s5], [sflag:$0x2] =	stream.linear.gather [hbm4b:s11+s2], $0x1900, $0x38;
	[tilespmem:$0x13800] =	vst v63  }
0x26: {  	_ =	swait.ge [sflag:s10], $0x1900  }
0x27: {  	s9 =	smov.u32 s0;
	[sflag:s10] =	ssyncset.done $0x0  }
0x28: {  	s4 =	simm.s32 $0x0;
	s8 =	rddreg [dreg:$0x18];
	[sflag:s10] =	ssyncadd.s32 $0xFFFFE700  }
.LBB2_2:
0x29: {  	s5 =	sshra.s32 s4, $0x2  }
0x2a: {  	v3 =	vld [tilespmem:s5+$0x0];
	_ =	sdelay $0x4  }
0x2b: {  	v4 =	vshrl.u32 v3, $0x3  }
0x2c: {  	v4 =	vmul.u32 $0x18, v4  }
0x2d: {  	v3 =	vand.u32 $0x7, v3  }
0x2e: {  	v3 =	vor.u32 v3, v4  }
0x2f: {  	v4 =	vperm.xlane v3, v0;
	_ =	sdelay $0x1  }
0x30: {  	v4 =	vadd.s32 v1, v4;
	_ =	sdelay $0x1  }
0x31: {  	v3 =	vperm.xlane v3, v2;
	_ =	sdelay $0x1  }
0x32: {  	v3 =	vadd.s32 v1, v3  }
0x33: {  	[tilespmem:s12], [sflag:$0x1] =	stream.indirect_vreg.gather [hbm4b:s3+s2], $0x80, v4, vm0, $0xb8;
	[tilespmem:$0x13800] =	vst v63  }
0x34: {  	s7 =	rddreg [dreg:$0x5]  }
0x35: {  	[tilespmem:s7], [sflag:$0x1] =	stream.indirect_vreg.gather [hbm4b:s6+s2], $0x80, v4, vm1, $0xb8;
	[tilespmem:$0x13800] =	vst v63  }
0x36: {  	s11 =	rddreg [dreg:$0x6]  }
0x37: {  	[tilespmem:s11], [sflag:$0x1] =	stream.indirect_vreg.gather [hbm4b:s3+s2], $0x80, v3, vm0, $0xb8;
	[tilespmem:$0x13800] =	vst v63  }
0x38: {  	s7 =	rddreg [dreg:$0x7]  }
0x39: {  	[tilespmem:s7], [sflag:$0x1] =	stream.indirect_vreg.gather [hbm4b:s6+s2], $0x80, v3, vm1, $0xb8;
	[tilespmem:$0x13800] =	vst v63  }
0x3a: {  	v3 =	vld [tilespmem:s5+$0x10];
	_ =	sdelay $0x4  }
0x3b: {  	v57 =	vshrl.u32 v3, $0x3  }
0x3c: {  	v4 =	vmul.u32 $0x18, v57  }
0x3d: {  	v3 =	vand.u32 $0x7, v3  }
0x3e: {  	v3 =	vor.u32 v3, v4  }
0x3f: {  	v4 =	vperm.xlane v3, v0;
	_ =	sdelay $0x1  }
0x40: {  	v4 =	vadd.s32 v1, v4;
	_ =	sdelay $0x1  }
0x41: {  	v3 =	vperm.xlane v3, v2;
	_ =	sdelay $0x1  }
0x42: {  	s7 =	rddreg [dreg:$0x8];
	v3 =	vadd.s32 v1, v3  }
0x43: {  	[tilespmem:s7], [sflag:$0x1] =	stream.indirect_vreg.gather [hbm4b:s3+s2], $0x80, v4, vm0, $0xb8;
	[tilespmem:$0x13800] =	vst v63  }
0x44: {  	s11 =	rddreg [dreg:$0x9]  }
0x45: {  	[tilespmem:s11], [sflag:$0x1] =	stream.indirect_vreg.gather [hbm4b:s6+s2], $0x80, v4, vm1, $0xb8;
	[tilespmem:$0x13800] =	vst v63  }
0x46: {  	s7 =	rddreg [dreg:$0xa]  }
0x47: {  	[tilespmem:s7], [sflag:$0x1] =	stream.indirect_vreg.gather [hbm4b:s3+s2], $0x80, v3, vm0, $0xb8;
	[tilespmem:$0x13800] =	vst v63  }
0x48: {  	s11 =	rddreg [dreg:$0xb]  }
0x49: {  	[tilespmem:s11], [sflag:$0x1] =	stream.indirect_vreg.gather [hbm4b:s6+s2], $0x80, v3, vm1, $0xb8;
	[tilespmem:$0x13800] =	vst v63  }
0x4a: {  	v3 =	vld [tilespmem:s5+$0x20];
	_ =	sdelay $0x4  }
0x4b: {  	v58 =	vshrl.u32 v3, $0x3  }
0x4c: {  	v4 =	vmul.u32 $0x18, v58  }
0x4d: {  	v3 =	vand.u32 $0x7, v3  }
0x4e: {  	v3 =	vor.u32 v3, v4  }
0x4f: {  	v4 =	vperm.xlane v3, v0;
	_ =	sdelay $0x1  }
0x50: {  	v4 =	vadd.s32 v1, v4;
	_ =	sdelay $0x1  }
0x51: {  	v3 =	vperm.xlane v3, v2;
	_ =	sdelay $0x1  }
0x52: {  	s7 =	rddreg [dreg:$0xc];
	v3 =	vadd.s32 v1, v3  }
0x53: {  	[tilespmem:s7], [sflag:$0x1] =	stream.indirect_vreg.gather [hbm4b:s3+s2], $0x80, v4, vm0, $0xb8;
	[tilespmem:$0x13800] =	vst v63  }
0x54: {  	s11 =	rddreg [dreg:$0xd]  }
0x55: {  	[tilespmem:s11], [sflag:$0x1] =	stream.indirect_vreg.gather [hbm4b:s6+s2], $0x80, v4, vm1, $0xb8;
	[tilespmem:$0x13800] =	vst v63  }
0x56: {  	s7 =	rddreg [dreg:$0xe]  }
0x57: {  	[tilespmem:s7], [sflag:$0x1] =	stream.indirect_vreg.gather [hbm4b:s3+s2], $0x80, v3, vm0, $0xb8;
	[tilespmem:$0x13800] =	vst v63  }
0x58: {  	s11 =	rddreg [dreg:$0xf]  }
0x59: {  	[tilespmem:s11], [sflag:$0x1] =	stream.indirect_vreg.gather [hbm4b:s6+s2], $0x80, v3, vm1, $0xb8;
	[tilespmem:$0x13800] =	vst v63  }
0x5a: {  	v3 =	vld [tilespmem:s5+$0x30];
	_ =	sdelay $0x4  }
0x5b: {  	v59 =	vshrl.u32 v3, $0x3  }
0x5c: {  	v4 =	vmul.u32 $0x18, v59  }
0x5d: {  	v3 =	vand.u32 $0x7, v3  }
0x5e: {  	v3 =	vor.u32 v3, v4  }
0x5f: {  	v4 =	vperm.xlane v3, v0;
	_ =	sdelay $0x1  }
0x60: {  	v4 =	vadd.s32 v1, v4;
	_ =	sdelay $0x1  }
0x61: {  	v3 =	vperm.xlane v3, v2;
	_ =	sdelay $0x1  }
0x62: {  	s7 =	rddreg [dreg:$0x10];
	v3 =	vadd.s32 v1, v3  }
0x63: {  	[tilespmem:s7], [sflag:$0x1] =	stream.indirect_vreg.gather [hbm4b:s3+s2], $0x80, v4, vm0, $0xb8;
	[tilespmem:$0x13800] =	vst v63  }
0x64: {  	s11 =	rddreg [dreg:$0x11]  }
0x65: {  	[tilespmem:s11], [sflag:$0x1] =	stream.indirect_vreg.gather [hbm4b:s6+s2], $0x80, v4, vm1, $0xb8;
	[tilespmem:$0x13800] =	vst v63  }
0x66: {  	s7 =	rddreg [dreg:$0x12]  }
0x67: {  	[tilespmem:s7], [sflag:$0x1] =	stream.indirect_vreg.gather [hbm4b:s3+s2], $0x80, v3, vm0, $0xb8;
	[tilespmem:$0x13800] =	vst v63  }
0x68: {  	s11 =	rddreg [dreg:$0x13]  }
0x69: {  	[tilespmem:s11], [sflag:$0x1] =	stream.indirect_vreg.gather [hbm4b:s6+s2], $0x80, v3, vm1, $0xb8;
	[tilespmem:$0x13800] =	vst v63  }
0x6a: {  	v3 =	vld [tilespmem:s5+$0x40];
	_ =	sdelay $0x4  }
0x6b: {  	v60 =	vshrl.u32 v3, $0x3  }
0x6c: {  	v4 =	vmul.u32 $0x18, v60  }
0x6d: {  	v3 =	vand.u32 $0x7, v3  }
0x6e: {  	v3 =	vor.u32 v3, v4  }
0x6f: {  	v4 =	vperm.xlane v3, v0;
	_ =	sdelay $0x1  }
0x70: {  	v4 =	vadd.s32 v1, v4;
	_ =	sdelay $0x1  }
0x71: {  	v3 =	vperm.xlane v3, v2;
	_ =	sdelay $0x1  }
0x72: {  	s11 =	rddreg [dreg:$0x14];
	v3 =	vadd.s32 v1, v3  }
0x73: {  	[tilespmem:s11], [sflag:$0x1] =	stream.indirect_vreg.gather [hbm4b:s3+s2], $0x80, v4, vm0, $0xb8;
	[tilespmem:$0x13800] =	vst v63  }
0x74: {  	_ = 	snop  }
0x75: {  	[tilespmem:s13], [sflag:$0x1] =	stream.indirect_vreg.gather [hbm4b:s6+s2], $0x80, v4, vm1, $0xb8;
	[tilespmem:$0x13800] =	vst v63  }
0x76: {  	_ = 	snop  }
0x77: {  	[tilespmem:s14], [sflag:$0x1] =	stream.indirect_vreg.gather [hbm4b:s3+s2], $0x80, v3, vm0, $0xb8;
	[tilespmem:$0x13800] =	vst v63  }
0x78: {  	_ = 	snop  }
0x79: {  	[tilespmem:s15], [sflag:$0x1] =	stream.indirect_vreg.gather [hbm4b:s6+s2], $0x80, v3, vm1, $0xb8;
	[tilespmem:$0x13800] =	vst v63  }
0x7a: {  	v3 =	vld [tilespmem:s5+$0x50];
	_ =	sdelay $0x4  }
0x7b: {  	v61 =	vshrl.u32 v3, $0x3  }
0x7c: {  	v4 =	vmul.u32 $0x18, v61  }
0x7d: {  	v3 =	vand.u32 $0x7, v3  }
0x7e: {  	v3 =	vor.u32 v3, v4  }
0x7f: {  	v4 =	vperm.xlane v3, v0;
	_ =	sdelay $0x1  }
0x80: {  	v4 =	vadd.s32 v1, v4;
	_ =	sdelay $0x1  }
0x81: {  	v3 =	vperm.xlane v3, v2;
	_ =	sdelay $0x1  }
0x82: {  	v3 =	vadd.s32 v1, v3  }
0x83: {  	[tilespmem:s16], [sflag:$0x1] =	stream.indirect_vreg.gather [hbm4b:s3+s2], $0x80, v4, vm0, $0xb8;
	[tilespmem:$0x13800] =	vst v63  }
0x84: {  	_ = 	snop  }
0x85: {  	[tilespmem:s17], [sflag:$0x1] =	stream.indirect_vreg.gather [hbm4b:s6+s2], $0x80, v4, vm1, $0xb8;
	[tilespmem:$0x13800] =	vst v63  }
0x86: {  	_ = 	snop  }
0x87: {  	[tilespmem:s18], [sflag:$0x1] =	stream.indirect_vreg.gather [hbm4b:s3+s2], $0x80, v3, vm0, $0xb8;
	[tilespmem:$0x13800] =	vst v63  }
0x88: {  	_ = 	snop  }
0x89: {  	[tilespmem:s19], [sflag:$0x1] =	stream.indirect_vreg.gather [hbm4b:s6+s2], $0x80, v3, vm1, $0xb8;
	[tilespmem:$0x13800] =	vst v63  }
0x8a: {  	v3 =	vld [tilespmem:s5+$0x60];
	_ =	sdelay $0x4  }
0x8b: {  	v62 =	vshrl.u32 v3, $0x3  }
0x8c: {  	v4 =	vmul.u32 $0x18, v62  }
0x8d: {  	v3 =	vand.u32 $0x7, v3  }
0x8e: {  	v3 =	vor.u32 v3, v4  }
0x8f: {  	v4 =	vperm.xlane v3, v0;
	_ =	sdelay $0x1  }
0x90: {  	v4 =	vadd.s32 v1, v4;
	_ =	sdelay $0x1  }
0x91: {  	v3 =	vperm.xlane v3, v2;
	_ =	sdelay $0x1  }
0x92: {  	v3 =	vadd.s32 v1, v3  }
0x93: {  	[tilespmem:s20], [sflag:$0x1] =	stream.indirect_vreg.gather [hbm4b:s3+s2], $0x80, v4, vm0, $0xb8;
	[tilespmem:$0x13800] =	vst v63  }
0x94: {  	_ = 	snop  }
0x95: {  	[tilespmem:s21], [sflag:$0x1] =	stream.indirect_vreg.gather [hbm4b:s6+s2], $0x80, v4, vm1, $0xb8;
	[tilespmem:$0x13800] =	vst v63  }
0x96: {  	_ = 	snop  }
0x97: {  	[tilespmem:s22], [sflag:$0x1] =	stream.indirect_vreg.gather [hbm4b:s3+s2], $0x80, v3, vm0, $0xb8;
	[tilespmem:$0x13800] =	vst v63  }
0x98: {  	_ = 	snop  }
0x99: {  	[tilespmem:s23], [sflag:$0x1] =	stream.indirect_vreg.gather [hbm4b:s6+s2], $0x80, v3, vm1, $0xb8;
	[tilespmem:$0x13800] =	vst v63  }
0x9a: {  	v3 =	vld [tilespmem:s5+$0x70];
	_ =	sdelay $0x4  }
0x9b: {  	v63 =	vshrl.u32 v3, $0x3  }
0x9c: {  	v4 =	vmul.u32 $0x18, v63  }
0x9d: {  	v3 =	vand.u32 $0x7, v3  }
0x9e: {  	v3 =	vor.u32 v3, v4  }
0x9f: {  	v4 =	vperm.xlane v3, v0;
	_ =	sdelay $0x1  }
0xa0: {  	v4 =	vadd.s32 v1, v4;
	_ =	sdelay $0x1  }
0xa1: {  	v3 =	vperm.xlane v3, v2;
	_ =	sdelay $0x1  }
0xa2: {  	v3 =	vadd.s32 v1, v3  }
0xa3: {  	[tilespmem:s24], [sflag:$0x1] =	stream.indirect_vreg.gather [hbm4b:s3+s2], $0x80, v4, vm0, $0xb8;
	[tilespmem:$0x13800] =	vst v63  }
0xa4: {  	_ = 	snop  }
0xa5: {  	[tilespmem:s25], [sflag:$0x1] =	stream.indirect_vreg.gather [hbm4b:s6+s2], $0x80, v4, vm1, $0xb8;
	[tilespmem:$0x13800] =	vst v63  }
0xa6: {  	_ = 	snop  }
0xa7: {  	[tilespmem:s26], [sflag:$0x1] =	stream.indirect_vreg.gather [hbm4b:s3+s2], $0x80, v3, vm0, $0xb8;
	[tilespmem:$0x13800] =	vst v63  }
0xa8: {  	_ = 	snop  }
0xa9: {  	[tilespmem:s28], [sflag:$0x1] =	stream.indirect_vreg.gather [hbm4b:s6+s2], $0x80, v3, vm1, $0xb8;
	[tilespmem:$0x13800] =	vst v63  }
0xaa: {  	_ =	swait.ge [sflag:s29], $0xC000  }
0xab: {  	[sflag:s29] =	ssyncset.done $0x0  }
0xac: {  	[sflag:s29] =	ssyncadd.s32 $0xFFFF4000  }
0xad: {  	[hbm4b:s9+s2] =	stream.linear.scatter [tilespmem:s12], [sflag:$0x2], $0xC000, $0x38;
	[tilespmem:$0x13800] =	vst v63  }
0xae: {  	_ =	swait.ge [sflag:s10], $0xC000  }
0xaf: {  	[sflag:s10] =	ssyncset.done $0x0  }
0xb0: {  	s5 =	sadd.s32 $0x1C00, s5;
	s11 =	rddreg [dreg:$0x4];
	[sflag:s10] =	ssyncadd.s32 $0xFFFF4000  }
0xb1: {  	[tilespmem:s31], [sflag:$0x1] =	stream.indirect.gather [hbm4b:s11+s30], $0x80, s5, s30, $0xb8;
	[tilespmem:$0x13800] =	vst v63  }
0xb2: {  	_ =	swait.ge [sflag:s29], $0x4000  }
0xb3: {  	p0 =	sne.s32 s4, $0x6200;
	[sflag:s29] =	ssyncset.done $0x0  }
.Ltmp0:
0xb4: {  	[sflag:s29] =	ssyncadd.s32 $0xFFFFC000;
	(pc) =	sbr.rel @p0 .LBB2_2-.Ltmp0, $4  }
0xb5: {  	[hbm4b:s8+s2] =	stream.linear.scatter [tilespmem:s31], [sflag:$0x2], $0x4000, $0x38;
	[tilespmem:$0x13800] =	vst v63  }
0xb6: {  	_ =	swait.ge [sflag:s10], $0x4000  }
0xb7: {  	s4 =	sadd.s32 $0x200, s4;
	[sflag:s10] =	ssyncset.done $0x0  }
0xb8: {  	s9 =	sadd.s32 $0x1800, s9;
	s8 =	sadd.s32 $0x800, s8;
	[sflag:s10] =	ssyncadd.s32 $0xFFFFC000  }
0xb9: {  	s1 =	sadd.s32 $0x1, s1;
	s4 =	rddreg [dreg:$0x17]  }
0xba: {  	p0 =	sne.s32 s1, s4  }
.Ltmp1:
0xbb: {  	_ = 	snop;
	(pc) =	sbr.rel @p0 .LBB2_1-.Ltmp1, $1  }
0xbc: {  	_ =	sdelay $0x3  }
0xbd: {  	_ =	sfence.sel $0x180000  }
0xbe: {  	[bflag:$0x0] =	sbarrier.arrive $0xFFFF  }
0xbf: {  	_ =	strace $0x90000047  }
0xc0: {  	s0 =	stileid.u32;
	[bflag:$0x2] =	sbarrier.arrive $0xFFFF  }
0xc1: {  	p0 =	sne.s32 s0, $0x0;
	s0 =	rddreg [dreg:$0x3]  }
0xc2: {  	s0 =	sadd.s32 @!p0 $0x100000, s0  }
0xc3: {  	[sflag:s0] =	ssyncadd.tile.s32 @!p0 $0x1;
	_ =	shalt  }
.Lfunc_end2:
_tile_overlayer_lowered:
.L_overlay_start_2:
0xc4: {  	(tag) =	ssettag $0x2  }
0xc5: {  	s0 =	rddreg [dreg:$0x0];
	s2 =	stileid.u32  }
0xc6: {  	s1 =	rddreg [dreg:$0x1];
	p0 =	sne.s32 s2, $0x0  }
0xc7: {  	s3 =	rddreg [dreg:$0x2];
	[bflag:$0x3] =	sbarrier.arrive $0xFFFF;
	s2 =	simm.s32 @!p0 $0x1C02  }
0xc8: {  	[timem:s3], [sflag:s2] =	dma.local @!p0 [hbm:s0], s1  }
0xc9: {  	s0 =	simm.s32 @!p0 $0x2  }
0xca: {  	_ =	swait.ge @!p0 [sflag:s0], s1  }
0xcb: {  	s1 =	ssub.s32 @!p0 $0x0, s1;
	[sflag:s0] =	ssyncset.done @!p0 $0x0  }
0xcc: {  	[sflag:s0] =	ssyncadd.s32 @!p0 s1  }
0xcd: {  	[bflag:$0x3] =	sbarrier.arrive $0xFFFF  }
0xce: {  	_ =	shalt  }

// kernel: sparse-core-data-format-call.1.cloned.1.call-start
scs
called_computation.1_lowered:
.L_overlay_start_0:
0x0: {  	s2 =	sld [smem:$0x3FD9]  }
0x1: {  	s3 =	sld [smem:$0x3FFE];
	_ =	sdelay $0x1  }
0x2: {  	s1 =	srdreg.scid  }
0x3: {  	s0 =	sand.u32 $0x1, s1  }
0x4: {  	s16 =	sshll.u32 s0, $0xA;
	s2 =	sadd.s32 s3, s2  }
0x5: {  	s2 =	sadd.s32 s2, s16  }
0x6: {  	[smem:$0x3FC4] =	sst s2  }
0x7: {  	_ = 	snop  }
0x8: {  	s2 =	sld [smem:$0x3FD0];
	_ =	sdelay $0x2  }
0x9: {  	s17 =	simm.s32 $0xB;
	s4 =	simm.s32 $0x10  }
0xa: {  	[smem:s4], [sflag:s17] =	dma.local [hbm:s2], $0x1  }
0xb: {  	_ =	swait.eq [sflag:s17], $0x1  }
0xc: {  	[sflag:s17] =	ssyncset.done $0x0  }
0xd: {  	[sflag:s17] =	ssyncadd.s32 $0xFFFFFFFF  }
0xe: {  	s18 =	sld [smem:$0x10];
	(tm) =	ssettm $0x1  }
0xf: {  	s19 =	sld [smem:$0x3FFB];
	_ =	sdelay $0x3  }
0x10: {  	_ =	strace s19  }
0x11: {  	s2 =	sld [smem:$0x3FFC];
	_ =	sdelay $0x3  }
0x12: {  	_ =	strace s2  }
0x13: {  	s2 =	sld [smem:$0x3FFD];
	_ =	sdelay $0x3  }
0x14: {  	_ =	strace s2  }
0x15: {  	_ =	strace $0x8FFFFFFF  }
0x16: {  	s20 =	sld [smem:$0x3FDB];
	_ =	sdelay $0x1  }
0x17: {  	s21 =	simm.s32 $_scs_section_size  }
0x18: {  	s5 =	simm.s32 $_size__tile_overlayer_lowered;
	s6 =	simm.s32 $_tile_overlayer_lowered  }
0x19: {  	s7 =	simm.s32 $0x1BFF;
	s22 =	sshll.u32 s6, $0x1;
	s4 =	sadd.s32 s21, s20  }
0x1a: {  	s23 =	simm.s32 $0x0;
	s5 =	sshll.u32 s5, $0x1;
	s6 =	sadd.s32 s22, s4  }
0x1b: {  	[timem:s23], [sflag:s7] =	dma.local [hbm:s6], s5  }
0x1c: {  	_ =	swait.ge [sflag:s7], s5  }
0x1d: {  	s5 =	ssub.s32 $0x0, s5;
	[sflag:s7] =	ssyncset.done $0x0  }
0x1e: {  	[sflag:s7] =	ssyncadd.s32 s5;
	_ =	sdelay $0x1  }
0x1f: {  	s24 =	simm.s32 $0x1B8B  }
0x20: {  	_ =	swait.ge [sflag:s24], $0x1  }
0x21: {  	[sflag:s24] =	ssyncset.done $0x0  }
0x22: {  	[sflag:s24] =	ssyncadd.s32 $0xFFFFFFFF  }
0x23: {  	s5 =	sld [smem:$0x0]  }
0x24: {  	s6 =	sand.u32 $0xFFFFFFFE, s1  }
0x25: {  	p0 =	sne.s32 s1, s6  }
0x26: {  	s6 =	sshll.u32 @p0 s6, $0xE  }
0x27: {  	s6 =	sadd.s32 @p0 $0x11B8D, s6;
	s7 =	sshll.u32 @p0 s5, $0x11  }
0x28: {  	s6 =	sor.u32 @p0 s7, s6  }
0x29: {  	[sflag:s6] =	ssyncadd.remote.s32 @p0 $0x1;
	_ =	sdelay $0x1  }
0x2a: {  	s6 =	simm.s32 @p0 $0x1B8D  }
0x2b: {  	_ =	swait.eq @p0 [sflag:s6], $0x1  }
0x2c: {  	[sflag:s6] =	ssyncadd.s32 @p0 $0xFFFFFFFF  }
0x2d: {  	s7 =	sshll.u32 @!p0 s1, $0xE  }
0x2e: {  	s7 =	sor.u32 @!p0 $0x4000, s7;
	s6 =	simm.s32 @!p0 $0x1B8D  }
0x2f: {  	s5 =	sshll.u32 @!p0 s5, $0x11;
	s7 =	sadd.s32 @!p0 $0x11B8D, s7;
	_ =	swait.eq @!p0 [sflag:s6], $0x1  }
0x30: {  	s5 =	sor.u32 @!p0 s5, s7;
	[sflag:s6] =	ssyncadd.s32 @!p0 $0xFFFFFFFF  }
0x31: {  	s26 =	simm.s32 $0x1B8E;
	s25 =	sld [smem:$0x3FFE];
	[sflag:s5] =	ssyncadd.remote.s32 @!p0 $0x1  }
0x32: {  	s27 =	simm.s32 $execute0_lowered;
	[smem:$0x3FD2] =	sst s26  }
0x33: {  	s6 =	sshll.u32 s27, $0x1;
	_ =	strace $0x8000004C;
	[dreg:$0x1] =	wrdreg $0xFFFFFFFF  }
0x34: {  	s28 =	simm.s32 $_size_execute0_lowered;
	s4 =	sadd.s32 s4, s6;
	[dreg:$0x0] =	wrdreg $0x0  }
0x35: {  	s6 =	sshll.u32 s28, $0x1;
	[dreg:$0x2] =	wrdreg s4  }
0x36: {  	[dreg:$0x3] =	wrdreg s6  }
0x37: {  	[dreg:$0x4] =	wrdreg $0xC0  }
0x38: {  	_ =	task [dreg:s23], $0x5FFFF  }
0x39: {  	[dreg:$0x1] =	wrdreg $0xFFFFFFFF  }
0x3a: {  	[dreg:$0x0] =	wrdreg $0x60  }
0x3b: {  	[dreg:$0x2] =	wrdreg s25  }
0x3c: {  	[dreg:$0x3] =	wrdreg s18  }
0x3d: {  	[dreg:$0x4] =	wrdreg $0xA  }
0x3e: {  	_ =	task.clear_ibuf [dreg:s23], $0x5FFFF;
	_ =	strace $0x9000004C  }
0x3f: {  	s29 =	simm.s32 $0xA;
	_ =	strace $0x8000004E  }
0x40: {  	_ =	swait.ge [sflag:s29], $0x1  }
0x41: {  	[sflag:s29] =	ssyncadd.s32 $0xFFFFFFFF  }
0x42: {  	_ =	strace $0x9000004E  }
0x43: {  	_ =	sfence  }
0x44: {  	s30 =	sld [smem:$0x0];
	_ =	sdelay $0x2  }
0x45: {  	s31 =	sshll.u32 s1, $0xD;
	s1 =	sshrl.u32 s1, $0x2  }
0x46: {  	s4 =	sand.u32 $0x4000, s31;
	s1 =	sadd.s32 s1, s30  }
0x47: {  	s0 =	sor.u32 s4, s0;
	s1 =	sshll.u32 s1, $0x11  }
0x48: {  	s0 =	sor.u32 s1, s0  }
0x49: {  	s0 =	sadd.s32 $0x8F2B, s0  }
0x4a: {  	[sflag:s0] =	ssyncadd.remote.s32 $0x1  }
0x4b: {  	_ =	sfence.sel $0xFFFF  }
0x4c: {  	[dreg:$0x0] =	wrdreg $0xFFFFFFFF;
	(pc) =	sbr.abs _section_cstart, $3  }
0x4d: {  	[dreg:$0x1] =	wrdreg $0xFFFFFFFF  }
0x4e: {  	_ =	task.clear_ibuf [dreg:s23], $0x2FFFF;
	_ =	strace $0x9FFFFFFF  }
0x4f: {  	(tm) =	ssettm $0x7FFFFFFF  }
tec
execute0_lowered:
.L_overlay_start_1:
0x0: {  	(tag) =	ssettag $0x1  }
0x1: {  	s0 =	srdreg.scid;
	s6 =	rddreg [dreg:$0x0]  }
0x2: {  	s3 =	rddreg [dreg:$0x1];
	s1 =	sshll.u32 s0, $0x4  }
0x3: {  	s5 =	simm.s32 $0x1;
	s0 =	stileid.u32;
	s1 =	sand.u32 $0x10, s1  }
0x4: {  	s31 =	simm.s32 $0x2;
	s16 =	simm.s32 $0x0;
	s1 =	sor.u32 s0, s1  }
0x5: {  	s8 =	simm.s32 $0x8000;
	s18 =	simm.s32 $0x0;
	s2 =	sshll.u32 s1, $0x7  }
0x6: {  	s17 =	simm.s32 $0x0;
	s9 =	simm.s32 $0x0;
	s4 =	ssub.s32 $0x1000, s2  }
0x7: {  	s10 =	simm.s32 $0x0;
	s11 =	simm.s32 $0x0;
	s30 =	sand.u32 $0xF80, s4  }
0x8: {  	s12 =	simm.s32 $0x0;
	s13 =	simm.s32 $0x0;
	p0 =	sne.s32 s30, $0x0  }
.Ltmp0:
0x9: {  	s7 =	sshrl.u32 s4, $0xC;
	s5 =	simm.s32 @!p0 $0x0;
	(pc) =	sbr.rel .LBB1_1-.Ltmp0, $4  }
0xa: {  	s15 =	simm.s32 $0x0;
	s1 =	rddreg [dreg:$0x2];
	s5 =	sadd.s32 s5, s7  }
0xb: {  	_ =	strace $0x8000004D;
	s4 =	simm.s32 $0x1;
	s5 =	smul.u32 $0x96, s5  }
0xc: {  	s6 =	sadd.s32 $0xE00400, s6;
	s14 =	smov.u32 s2;
	[sflag:s4] =	ssyncpa.u1 $0x0  }
0xd: {  	[sflag:s31] =	ssyncpa.u1 $0x0;
	p0 =	por $0x0, $0x0;
	s7 =	sor.u32 $0x1, s5  }
.LBB1_4:
0xe: {  	s23 =	sshra.s32 s23, $0x2;
	s30 =	sshll.u32 s9, $0xC  }
0xf: {  	p1 =	sgt.s32 s10, $0x31;
	s24 =	smov.u32 s10;
	s25 =	sshra.s32 s10, $0x1F  }
0x10: {  	s26 =	sshll.u32 s11, $0x3;
	s28 =	smov.u32 s11;
	s29 =	sshra.s32 s11, $0x1F  }
0x11: {  	s22 =	sadd.s32 s23, s22;
	s24 =	simm.s32 @!p1 $0x31;
	s25 =	sand.u32 s25, s10  }
0x12: {  	s23 =	sand.u32 $0xFFFF8000, s30;
	s27 =	sand.u32 $0xFFFFFC00, s26;
	p1 =	sgt.s32 s9, $0xB0  }
0x13: {  	s31 =	sand.u32 s29, s11;
	s29 =	sshll.u32 s9, $0x7;
	s30 =	sshra.s32 s9, $0x1F  }
0x14: {  	[tilespmem:s21+$0x2040 ss:$0x81] =	vst.msk $0xffff, v4;
	s24 =	ssub.s32 s24, s25;
	s23 =	sadd.s32 s27, s23;
	s27 =	smov.u32 s9  }
0x15: {  	[tilespmem:s21+$0x2850 ss:$0x81] =	vst.msk $0xffff, v3;
	s29 =	sand.u32 $0x380, s29;
	s25 =	sadd.s32 $0xFFFFFFCF, s24;
	s27 =	simm.s32 @!p1 $0xB0  }
0x16: {  	v5 =	vld [tilespmem:s20+$0xFFFFFFD0];
	[tilespmem:s21+$0x3060 ss:$0x81] =	vst.msk $0xffff, v2;
	p1 =	sgt.s32 s11, $0xF80;
	s23 =	sshrl.u32 s23, $0xC;
	s24 =	ssub.s32 $0x32, s24  }
0x17: {  	v58 =	vld [tilespmem:s20+$0xFFFFFFE0];
	[tilespmem:s21+$0x0 ss:$0x81] =	vst.msk $0xffff, v1;
	s28 =	simm.s32 @!p1 $0xF80;
	p1 =	sgt.s32 s25, $0x0;
	s21 =	smulhi.u32 $0xD79436, s23  }
0x18: {  	v59 =	vld [tilespmem:s20+$0xFFFFFFF0];
	s25 =	ssub.s32 s28, s31;
	s28 =	sand.u32 s30, s9;
	s24 =	simm.s32 @p1 $0x0  }
0x19: {  	v60 =	vld [tilespmem:s20+$0x0];
	s27 =	ssub.s32 s27, s28;
	s31 =	sadd.s32 $0xFFFFF080, s25;
	s25 =	ssub.s32 $0x1000, s25  }
0x1a: {  	v61 =	vld [tilespmem:s20+$0x10];
	[tilespmem:s22+$0x3870 ss:$0x81] =	vst.msk $0xffff, v0;
	s21 =	smul.u32 $0x130, s21;
	s28 =	sand.u32 $0x7, s11;
	p1 =	sgt.s32 s31, $0x7F  }
0x1b: {  	v62 =	vld [tilespmem:s20+$0x20];
	[tilespmem:s22+$0x810 ss:$0x81] =	vst.msk $0xffff, v5;
	s30 =	sadd.s32 $0xFFFFFF50, s27;
	s31 =	sand.u32 $0x78, s11;
	s25 =	simm.s32 @p1 $0x0  }
0x1c: {  	v63 =	vld [tilespmem:s20+$0xFFFFFFC0];
	[tilespmem:s22+$0x1020 ss:$0x81] =	vst.msk $0xffff, v58;
	p1 =	sgt.s32 s30, $0x7F;
	s30 =	sand.u32 $0xC00, s26;
	s24 =	smul.u32 s25, s24  }
0x1d: {  	[tilespmem:s22+$0x1830 ss:$0x81] =	vst.msk $0xffff, v59;
	s26 =	ssub.s32 $0x130, s27;
	s20 =	sor.u32 s31, s30;
	s31 =	smul.u32 $0x26000, s10  }
0x1e: {  	[tilespmem:s22+$0x2040 ss:$0x81] =	vst.msk $0xffff, v60;
	s21 =	ssub.s32 s23, s21;
	s26 =	simm.s32 @p1 $0x0;
	s20 =	sor.u32 s29, s20  }
0x1f: {  	[tilespmem:s22+$0x2850 ss:$0x81] =	vst.msk $0xffff, v61;
	s26 =	smul.u32 s26, s24;
	s20 =	sshrl.u32 s20, $0x3;
	s27 =	sadd.s32 s3, s31  }
0x20: {  	[tilespmem:s22+$0x3060 ss:$0x81] =	vst.msk $0xffff, v62;
	s21 =	sshll.u32 s21, $0x9;
	s29 =	sshll.u32 s28, $0x12;
	s20 =	sadd.s32 s20, s27  }
0x21: {  	[tilespmem:s22+$0x0 ss:$0x81] =	vst.msk $0xffff, v63;
	s31 =	sor.u32 $0x400, s29;
	s30 =	sand.u32 $0x3FFFFFFF, s26;
	s20 =	sadd.s32 s21, s20  }
0x22: {  	[hbm4b:s20+s31] =	stream.strided.scatter [tilespmem:s19], [sflag:$0x2], s30, s8, s31, $0x20;
	[tilespmem:$0x10100] =	vst v63  }
.LBB1_5:
0x23: {  	p1 =	slt.u32 s15, $0x2  }
0x24: {  	p2 =	sgt.s32 @!p1 s18, $0x31  }
0x25: {  	s19 =	smov.u32 s18;
	s20 =	sshra.s32 @!p1 s18, $0x1F;
	p2 =	por !p2, p1  }
0x26: {  	s18 =	sand.u32 @!p1 s20, s18;
	s19 =	simm.s32 @p2 $0x31  }
0x27: {  	p3 =	sgt.s32 @!p1 s16, $0xB0;
	s18 =	ssub.s32 @!p1 s19, s18  }
0x28: {  	p4 =	sgt.s32 @!p1 s17, $0xF80;
	s21 =	sshra.s32 @!p1 s17, $0x1F;
	s19 =	sadd.s32 @!p1 $0xFFFFFFCF, s18  }
0x29: {  	s20 =	smov.u32 s16;
	p2 =	sgt.s32 @!p1 s19, $0x0;
	s19 =	sshra.s32 @!p1 s16, $0x1F  }
0x2a: {  	p4 =	por !p4, p1;
	s16 =	sand.u32 @!p1 s19, s16;
	s19 =	smov.u32 s17  }
0x2b: {  	p3 =	por !p3, p1;
	s17 =	sand.u32 @!p1 s21, s17;
	s19 =	simm.s32 @p4 $0xF80  }
0x2c: {  	s20 =	simm.s32 @p3 $0xB0;
	s18 =	ssub.s32 @!p1 $0x32, s18;
	s17 =	ssub.s32 @!p1 s19, s17  }
0x2d: {  	p2 =	por !p2, p1;
	s16 =	ssub.s32 @!p1 s20, s16;
	s20 =	sadd.s32 @!p1 $0xFFFFF080, s17  }
0x2e: {  	s18 =	simm.s32 @!p2 $0x0;
	p3 =	sgt.s32 @!p1 s20, $0x7F  }
0x2f: {  	s19 =	sadd.s32 @!p1 $0xFFFFFF50, s16;
	s17 =	ssub.s32 @!p1 $0x1000, s17;
	p3 =	por !p3, p1  }
0x30: {  	p2 =	sgt.s32 @!p1 s19, $0x7F;
	s19 =	sadd.s32 $0x80, s12;
	s17 =	simm.s32 @!p3 $0x0  }
0x31: {  	p3 =	sgt.s32 s19, $0x12B;
	s17 =	smul.u32 @!p1 s17, s18;
	s18 =	simm.s32 $0x1  }
0x32: {  	s16 =	ssub.s32 @!p1 $0x130, s16;
	p2 =	por !p2, p1;
	s18 =	simm.s32 @!p3 $0x0  }
0x33: {  	s21 =	smov.u32 s14;
	s16 =	simm.s32 @!p2 $0x0;
	s20 =	sadd.s32 s18, s13  }
0x34: {  	s16 =	smul.u32 @!p1 s16, s17;
	s17 =	sadd.s32 $0x1000, s14;
	p2 =	sgt.s32 s20, $0x31  }
0x35: {  	p0 =	por !p0, !p0;
	s22 =	simm.s32 @!p1 $0x2;
	s21 =	smov.u32 @p2 s17  }
0x36: {  	s19 =	simm.s32 @p3 $0x0;
	s20 =	simm.s32 @p2 $0x0;
	p2 =	sgt.s32 s21, $0xFFF  }
0x37: {  	s18 =	smov.u32 s10;
	s21 =	smov.u32 @p2 s2;
	p2 =	sne.s32 s15, s7  }
.Ltmp1:
0x38: {  	s10 =	smov.u32 s13;
	s16 =	sand.u32 @!p1 $0x3FFFFFFF, s16;
	(pc) =	sbr.rel @!p2 .LBB1_6-.Ltmp1, $4  }
0x39: {  	s17 =	smov.u32 s11;
	s11 =	smov.u32 s14;
	_ =	swait.ge @!p1 [sflag:s22], s16  }
0x3a: {  	s23 =	ssub.s32 @!p1 $0x0, s16;
	s16 =	smov.u32 s9;
	s9 =	smov.u32 s12  }
0x3b: {  	s12 =	smov.u32 s19;
	s13 =	smov.u32 s20;
	[sflag:s22] =	ssyncset.done @!p1 $0x0  }
0x3c: {  	s15 =	sadd.s32 $0x1, s15;
	[sflag:s22] =	ssyncadd.s32 @!p1 s23;
	s14 =	smov.u32 s21  }
.LBB1_1:
0x3d: {  	p1 =	sge.u32 s15, s5  }
0x3e: {  	s19 =	sshrl.u32 @!p1 s13, $0x3  }
0x3f: {  	s20 =	sshll.u32 @!p1 s12, $0x3;
	s19 =	smul.u32 @!p1 $0xC00, s19  }
0x40: {  	s21 =	sshll.u32 @!p1 s13, $0x7;
	s20 =	sand.u32 @!p1 $0xFFFFFC00, s20  }
0x41: {  	s19 =	sadd.s32 @!p1 s19, s20;
	s20 =	sand.u32 @!p1 $0x380, s21  }
0x42: {  	s19 =	sor.u32 @!p1 s20, s19  }
0x43: {  	s20 =	sand.u32 @!p1 $0x7F, s12;
	s21 =	smulhi.u32 @!p1 $0xAAAAAAAB, s19  }
0x44: {  	s19 =	sor.u32 @!p1 s20, s19  }
0x45: {  	s20 =	smulhi.u32 @!p1 $0xAAAAAAAB, s19;
	s21 =	sshrl.u32 @!p1 s21, $0x8  }
0x46: {  	s22 =	smulhi.u32 @!p1 $0x4924925, s21;
	_ =	sdelay $0x1  }
0x47: {  	s20 =	sshrl.u32 @!p1 s20, $0x8;
	s22 =	smul.u32 @!p1 $0x38, s22  }
0x48: {  	s31 =	sadd.s32 $0xFFFFFFFF, s15;
	s20 =	smul.u32 @!p1 $0x180, s20  }
0x49: {  	s23 =	sxor.u32 @!p1 $0xFFFFFFFF, s15;
	s21 =	ssub.s32 @!p1 s21, s22;
	s22 =	smul.u32 @!p1 $0xA80, s14  }
0x4a: {  	s23 =	sshll.u32 @!p1 s23, $0xE;
	s19 =	ssub.s32 @!p1 s19, s20;
	s20 =	smul.u32 @!p1 $0x30, s21  }
0x4b: {  	s21 =	sand.u32 @!p1 $0x4000, s23;
	s23 =	sand.u32 @!p1 $0x7, s19;
	s22 =	sadd.s32 @!p1 s6, s22  }
0x4c: {  	s19 =	sshrl.u32 @!p1 s19, $0x3;
	s20 =	sadd.s32 @!p1 s20, s22;
	s22 =	sshll.u32 @!p1 s23, $0x12  }
0x4d: {  	s19 =	sadd.s32 @!p1 s19, s20;
	s20 =	sor.u32 @!p1 $0x80, s22;
	s22 =	simm.s32 @!p1 $0x5400  }
0x4e: {  	[tilespmem:s21], [sflag:$0x1] =	stream.strided.gather @!p1 [hbm4b:s19+s20], $0x4000, s22, s20, $0x38;
	[tilespmem:$0x10100] =	vst v63  }
0x4f: {  	p1 =	sge.u32 s31, s5  }
.Ltmp2:
0x50: {  	_ = 	snop;
	(pc) =	sbr.rel @p1 .LBB1_5-.Ltmp2, $1  }
0x51: {  	_ =	sdelay $0x3  }
0x52: {  	s19 =	simm.s32 $0x1  }
0x53: {  	_ =	swait.ge [sflag:s4], $0x4000;
	s19 =	simm.s32 @!p0 $0x0  }
0x54: {  	[sflag:s4] =	ssyncset.done $0x0;
	s20 =	sshll.u32 s19, $0xE  }
0x55: {  	[sflag:s4] =	ssyncadd.s32 $0xFFFFC000;
	s20 =	sor.u32 $0x40, s20  }
0x56: {  	s19 =	smul.u32 $0x10200, s19;
	v0 =	vld [tilespmem:s20+$0x30]  }
0x57: {  	v1 =	vld [tilespmem:s20+$0xFFFFFFD0]  }
0x58: {  	s19 =	sshrl.u32 s19, $0x2;
	v5 =	vld [tilespmem:s20+$0xFFFFFFE0]  }
0x59: {  	v6 =	vld [tilespmem:s20+$0xFFFFFFF0];
	s22 =	sor.u32 $0x8000, s19  }
0x5a: {  	s31 =	sand.u32 $0x1, s15;
	v4 =	vld [tilespmem:s20+$0x0];
	s21 =	sadd.s32 $0x0, s22  }
0x5b: {  	v3 =	vld [tilespmem:s20+$0x10];
	s19 =	smul.u32 $0x10200, s31;
	[tilespmem:s21+$0x3870 ss:$0x81] =	vst.msk $0xffff, v0  }
0x5c: {  	v2 =	vld [tilespmem:s20+$0x20];
	[tilespmem:s21+$0x810 ss:$0x81] =	vst.msk $0xffff, v1  }
0x5d: {  	s19 =	sshrl.u32 s19, $0x2;
	v1 =	vld [tilespmem:s20+$0xFFFFFFC0];
	[tilespmem:s21+$0x1020 ss:$0x81] =	vst.msk $0xffff, v5;
	s20 =	sadd.s32 $0x80, s20  }
0x5e: {  	s23 =	simm.s32 $0x4;
	s24 =	simm.s32 $0x8;
	s19 =	sor.u32 $0x8000, s19;
	[tilespmem:s21+$0x1830 ss:$0x81] =	vst.msk $0xffff, v6;
	v0 =	vld [tilespmem:s20+$0x30]  }
.LBB1_3:
0x5f: {  	p1 =	sne.s32 s24, $0x1FC;
	v5 =	vld [tilespmem:s20+$0xFFFFFFD0];
	[tilespmem:s21+$0x2040 ss:$0x81] =	vst.msk $0xffff, v4  }
0x60: {  	v6 =	vld [tilespmem:s20+$0xFFFFFFE0];
	[tilespmem:s21+$0x2850 ss:$0x81] =	vst.msk $0xffff, v3  }
0x61: {  	s25 =	sshra.s32 s23, $0x2;
	s23 =	smov.u32 s24;
	v7 =	vld [tilespmem:s20+$0xFFFFFFF0];
	[tilespmem:s21+$0x3060 ss:$0x81] =	vst.msk $0xffff, v2  }
.Ltmp3:
0x62: {  	v4 =	vld [tilespmem:s20+$0x0];
	[tilespmem:s21+$0x0 ss:$0x81] =	vst.msk $0xffff, v1;
	s21 =	sadd.s32 s25, s22;
	(pc) =	sbr.rel @p1 .LBB1_3-.Ltmp3, $4  }
0x63: {  	v3 =	vld [tilespmem:s20+$0x10];
	[tilespmem:s21+$0x3870 ss:$0x81] =	vst.msk $0xffff, v0  }
0x64: {  	[tilespmem:s21+$0x810 ss:$0x81] =	vst.msk $0xffff, v5;
	v2 =	vld [tilespmem:s20+$0x20]  }
0x65: {  	v1 =	vld [tilespmem:s20+$0xFFFFFFC0];
	[tilespmem:s21+$0x1020 ss:$0x81] =	vst.msk $0xffff, v6;
	s20 =	sadd.s32 $0x80, s20  }
0x66: {  	s24 =	sadd.s32 $0x4, s24;
	v0 =	vld [tilespmem:s20+$0x30];
	[tilespmem:s21+$0x1830 ss:$0x81] =	vst.msk $0xffff, v7  }
.Ltmp4:
0x67: {  	_ = 	snop;
	(pc) =	sbr.rel .LBB1_4-.Ltmp4, $1  }
0x68: {  	_ =	sdelay $0x3  }
.LBB1_6:
0x69: {  	_ =	sfence.sel $0x180000  }
0x6a: {  	s2 =	simm.s32 $0x1;
	[bflag:$0x0] =	sbarrier.arrive $0xFFFF  }
0x6b: {  	s31 =	simm.s32 $0x2;
	[sflag:s2] =	ssyncpa.u1 $0x1  }
0x6c: {  	[sflag:s31] =	ssyncpa.u1 $0x1  }
0x6d: {  	p0 =	sne.s32 s0, $0x0;
	_ =	strace $0x9000004D  }
0x6e: {  	s0 =	sadd.s32 @!p0 $0x100000, s1;
	[bflag:$0x2] =	sbarrier.arrive $0xFFFF  }
0x6f: {  	[sflag:s0] =	ssyncadd.tile.s32 @!p0 $0x1;
	_ =	shalt  }
.Lfunc_end1:
_tile_overlayer_lowered:
.L_overlay_start_2:
0x70: {  	(tag) =	ssettag $0x2  }
0x71: {  	s0 =	rddreg [dreg:$0x0];
	s2 =	stileid.u32  }
0x72: {  	s1 =	rddreg [dreg:$0x1];
	p0 =	sne.s32 s2, $0x0  }
0x73: {  	s3 =	rddreg [dreg:$0x2];
	[bflag:$0x3] =	sbarrier.arrive $0xFFFF;
	s2 =	simm.s32 @!p0 $0x1C01  }
0x74: {  	[timem:s3], [sflag:s2] =	dma.local @!p0 [hbm:s0], s1  }
0x75: {  	s0 =	simm.s32 @!p0 $0x1  }
0x76: {  	_ =	swait.ge @!p0 [sflag:s0], s1  }
0x77: {  	s1 =	ssub.s32 @!p0 $0x0, s1;
	[sflag:s0] =	ssyncset.done @!p0 $0x0  }
0x78: {  	[sflag:s0] =	ssyncadd.s32 @!p0 s1  }
0x79: {  	[bflag:$0x3] =	sbarrier.arrive $0xFFFF  }
0x7a: {  	_ =	shalt  }

// kernel: sparse-core-data-format-call.cloned.1.call-start
scs
called_computation_lowered:
.L_overlay_start_0:
0x0: {  	s2 =	sld [smem:$0x3FD9]  }
0x1: {  	s3 =	sld [smem:$0x3FFE];
	_ =	sdelay $0x1  }
0x2: {  	s1 =	srdreg.scid  }
0x3: {  	s0 =	sand.u32 $0x1, s1  }
0x4: {  	s15 =	sshll.u32 s0, $0xA;
	s2 =	sadd.s32 s3, s2  }
0x5: {  	s2 =	sadd.s32 s2, s15  }
0x6: {  	[smem:$0x3FC4] =	sst s2  }
0x7: {  	_ = 	snop  }
0x8: {  	s2 =	sld [smem:$0x3FD0];
	_ =	sdelay $0x2  }
0x9: {  	s16 =	simm.s32 $0xB;
	s4 =	simm.s32 $0x10  }
0xa: {  	[smem:s4], [sflag:s16] =	dma.local [hbm:s2], $0x1  }
0xb: {  	_ =	swait.eq [sflag:s16], $0x1  }
0xc: {  	[sflag:s16] =	ssyncset.done $0x0  }
0xd: {  	[sflag:s16] =	ssyncadd.s32 $0xFFFFFFFF  }
0xe: {  	s17 =	sld [smem:$0x11];
	(tm) =	ssettm $0x1  }
0xf: {  	s18 =	sld [smem:$0x3FFB];
	_ =	sdelay $0x3  }
0x10: {  	_ =	strace s18  }
0x11: {  	s3 =	sld [smem:$0x3FFC];
	_ =	sdelay $0x3  }
0x12: {  	_ =	strace s3  }
0x13: {  	s3 =	sld [smem:$0x3FFD];
	_ =	sdelay $0x3  }
0x14: {  	_ =	strace s3  }
0x15: {  	_ =	strace $0x8FFFFFFF  }
0x16: {  	s19 =	sld [smem:$0x3FDB];
	_ =	sdelay $0x1  }
0x17: {  	s20 =	simm.s32 $_scs_section_size  }
0x18: {  	s5 =	simm.s32 $_size__tile_overlayer_lowered;
	s6 =	simm.s32 $_tile_overlayer_lowered  }
0x19: {  	s23 =	simm.s32 $0x1BFF;
	s22 =	sshll.u32 s6, $0x1;
	s3 =	sadd.s32 s20, s19  }
0x1a: {  	s7 =	simm.s32 $0x0;
	s21 =	sshll.u32 s5, $0x1;
	s5 =	sadd.s32 s22, s3  }
0x1b: {  	[timem:s7], [sflag:s23] =	dma.local [hbm:s5], s21  }
0x1c: {  	_ =	swait.ge [sflag:s23], s21  }
0x1d: {  	s4 =	ssub.s32 $0x0, s21;
	[sflag:s23] =	ssyncset.done $0x0  }
0x1e: {  	[sflag:s23] =	ssyncadd.s32 s4;
	_ =	sdelay $0x1  }
0x1f: {  	s24 =	simm.s32 $0x1B8B  }
0x20: {  	_ =	swait.ge [sflag:s24], $0x1  }
0x21: {  	[sflag:s24] =	ssyncset.done $0x0  }
0x22: {  	s26 =	simm.s32 $0x1B8E;
	s25 =	sld [smem:$0x3FFE];
	[sflag:s24] =	ssyncadd.s32 $0xFFFFFFFF  }
0x23: {  	s27 =	simm.s32 $execute0_lowered;
	[smem:$0x3FD2] =	sst s26  }
0x24: {  	s5 =	sshll.u32 s27, $0x1;
	_ =	strace $0x80000049;
	[dreg:$0x1] =	wrdreg $0xFFFFFFFF  }
0x25: {  	s28 =	simm.s32 $_size_execute0_lowered;
	s3 =	sadd.s32 s3, s5;
	[dreg:$0x0] =	wrdreg $0x0  }
0x26: {  	s5 =	sshll.u32 s28, $0x1;
	[dreg:$0x2] =	wrdreg s3  }
0x27: {  	[dreg:$0x3] =	wrdreg s5  }
0x28: {  	[dreg:$0x4] =	wrdreg $0xC0  }
0x29: {  	_ =	task [dreg:s7], $0x5FFFF  }
0x2a: {  	[dreg:$0x1] =	wrdreg $0xFFFFFFFF  }
0x2b: {  	[dreg:$0x0] =	wrdreg $0x60  }
0x2c: {  	[dreg:$0x2] =	wrdreg s25  }
0x2d: {  	[dreg:$0x3] =	wrdreg s17  }
0x2e: {  	[dreg:$0x4] =	wrdreg $0x9  }
0x2f: {  	_ =	task.clear_ibuf [dreg:s7], $0x5FFFF;
	_ =	strace $0x90000049  }
0x30: {  	s29 =	simm.s32 $0x9;
	_ =	strace $0x8000004B  }
0x31: {  	_ =	swait.ge [sflag:s29], $0x1  }
0x32: {  	[sflag:s29] =	ssyncadd.s32 $0xFFFFFFFF  }
0x33: {  	_ =	strace $0x9000004B  }
0x34: {  	_ =	sfence  }
0x35: {  	s30 =	sld [smem:$0x0];
	_ =	sdelay $0x2  }
0x36: {  	s31 =	sshll.u32 s1, $0xD;
	s1 =	sshrl.u32 s1, $0x2  }
0x37: {  	s3 =	sand.u32 $0x4000, s31;
	s1 =	sadd.s32 s1, s30  }
0x38: {  	s0 =	sor.u32 s3, s0;
	s1 =	sshll.u32 s1, $0x11  }
0x39: {  	s0 =	sor.u32 s1, s0  }
0x3a: {  	s0 =	sadd.s32 $0x8F2B, s0  }
0x3b: {  	[sflag:s0] =	ssyncadd.remote.s32 $0x1  }
0x3c: {  	_ =	sfence.sel $0xFFFF  }
0x3d: {  	[dreg:$0x0] =	wrdreg $0xFFFFFFFF;
	(pc) =	sbr.abs _section_cstart, $3  }
0x3e: {  	[dreg:$0x1] =	wrdreg $0xFFFFFFFF  }
0x3f: {  	_ =	task.clear_ibuf [dreg:s7], $0x2FFFF;
	_ =	strace $0x9FFFFFFF  }
0x40: {  	(tm) =	ssettm $0x7FFFFFFF  }
0x41: {  	_ =	shalt  }
tec
execute0_lowered:
.L_overlay_start_1:
0x0: {  	(tag) =	ssettag $0x1  }
0x1: {  	s0 =	srdreg.scid  }
0x2: {  	s1 =	sshll.u32 s0, $0x4  }
0x3: {  	s0 =	stileid.u32;
	s1 =	sand.u32 $0x10, s1  }
0x4: {  	s1 =	sor.u32 s0, s1  }
0x5: {  	s6 =	rddreg [dreg:$0x0];
	s4 =	simm.s32 $0x1;
	s2 =	sshll.u32 s1, $0x7  }
0x6: {  	s7 =	simm.s32 $0x2;
	s12 =	simm.s32 $0x0;
	s1 =	ssub.s32 $0x1000, s2  }
0x7: {  	s8 =	simm.s32 $0x8000;
	s13 =	simm.s32 $0x0;
	s3 =	sand.u32 $0xF80, s1  }
0x8: {  	s9 =	simm.s32 $0x0;
	s5 =	sshrl.u32 s1, $0xC;
	p0 =	sne.s32 s3, $0x0  }
.Ltmp0:
0x9: {  	s1 =	rddreg [dreg:$0x2];
	s4 =	simm.s32 @!p0 $0x0;
	(pc) =	sbr.rel .LBB1_1-.Ltmp0, $4  }
0xa: {  	s11 =	simm.s32 $0x0;
	s3 =	rddreg [dreg:$0x1];
	s5 =	sadd.s32 s4, s5  }
0xb: {  	_ =	strace $0x8000004A;
	s4 =	simm.s32 $0x1;
	s5 =	smul.u32 $0x32, s5  }
0xc: {  	s6 =	sadd.s32 $0x1600, s6;
	s10 =	smov.u32 s2;
	[sflag:s4] =	ssyncpa.u1 $0x0  }
0xd: {  	p0 =	por $0x0, $0x0;
	[sflag:s7] =	ssyncpa.u1 $0x0;
	s7 =	sor.u32 $0x1, s5  }
.LBB1_4:
0xe: {  	s16 =	sshll.u32 s13, $0x3;
	s17 =	sand.u32 $0x78, s13  }
0xf: {  	s30 =	sand.u32 $0x7E00, s13;
	s12 =	sshll.u32 s12, $0xF;
	s16 =	sand.u32 $0xC00, s16  }
0x10: {  	[tilespmem:s15+$0x810 ss:$0x81] =	vst.msk $0xffff, v2;
	s31 =	sand.u32 $0x7, s13;
	s16 =	sor.u32 s17, s16;
	s17 =	sadd.s32 s3, s30  }
0x11: {  	[tilespmem:s15+$0x1020 ss:$0x81] =	vst.msk $0xffff, v0;
	s13 =	sshll.u32 s31, $0x12;
	s12 =	sadd.s32 s12, s17;
	s16 =	sshrl.u32 s16, $0x3  }
0x12: {  	[tilespmem:s15+$0x0 ss:$0x81] =	vst.msk $0xffff, v1;
	s13 =	sor.u32 $0x400, s13;
	s12 =	sadd.s32 s16, s12  }
0x13: {  	[hbm4b:s12+s13] =	stream.strided.scatter [tilespmem:s14], [sflag:$0x2], $0x2000, s8, s13, $0x20;
	[tilespmem:$0x8080] =	vst v63  }
.LBB1_5:
0x14: {  	s14 =	sadd.s32 $0x1, s9  }
0x15: {  	s12 =	sadd.s32 $0x1000, s10;
	s16 =	smov.u32 s10;
	p2 =	sgt.s32 s14, $0x31  }
0x16: {  	s16 =	smov.u32 @p2 s12  }
0x17: {  	s14 =	simm.s32 @p2 $0x0;
	p2 =	sgt.s32 s16, $0xFFF  }
0x18: {  	s16 =	smov.u32 @p2 s2;
	p2 =	sne.s32 s11, s7  }
.Ltmp1:
0x19: {  	p1 =	slt.u32 s11, $0x2;
	(pc) =	sbr.rel @!p2 .LBB1_6-.Ltmp1, $4  }
0x1a: {  	s15 =	simm.s32 @!p1 $0x2  }
0x1b: {  	s13 =	smov.u32 s10;
	p0 =	por !p0, !p0;
	_ =	swait.ge @!p1 [sflag:s15], $0x2000  }
0x1c: {  	s12 =	smov.u32 s9;
	[sflag:s15] =	ssyncset.done @!p1 $0x0;
	s9 =	smov.u32 s14  }
0x1d: {  	s11 =	sadd.s32 $0x1, s11;
	[sflag:s15] =	ssyncadd.s32 @!p1 $0xFFFFE000;
	s10 =	smov.u32 s16  }
.LBB1_1:
0x1e: {  	p1 =	sge.u32 s11, s5  }
0x1f: {  	s14 =	sand.u32 @!p1 $0x1FFFFFF, s9  }
0x20: {  	s15 =	smulhi.u32 @!p1 $0x4924925, s14;
	_ =	sdelay $0x1  }
0x21: {  	s15 =	smul.u32 @!p1 $0x38, s15  }
0x22: {  	s16 =	sxor.u32 @!p1 $0xFFFFFFFF, s11;
	s17 =	smul.u32 @!p1 $0x380, s10  }
0x23: {  	s31 =	sadd.s32 $0xFFFFFFFF, s11;
	s16 =	sshll.u32 @!p1 s16, $0xD;
	s14 =	ssub.s32 @!p1 s14, s15  }
0x24: {  	s15 =	sand.u32 @!p1 $0x2000, s16;
	s16 =	sadd.s32 @!p1 s6, s17;
	s14 =	sshll.u32 @!p1 s14, $0x4  }
0x25: {  	s17 =	simm.s32 @!p1 $0x1C00;
	s14 =	sadd.s32 @!p1 s14, s16;
	s16 =	simm.s32 @!p1 $0x40  }
0x26: {  	[tilespmem:s15], [sflag:$0x1] =	stream.strided.gather @!p1 [hbm4b:s14+s16], $0x2000, s17, s16, $0x38;
	[tilespmem:$0x8080] =	vst v63  }
0x27: {  	p1 =	sge.u32 s31, s5  }
.Ltmp2:
0x28: {  	_ = 	snop;
	(pc) =	sbr.rel @p1 .LBB1_5-.Ltmp2, $1  }
0x29: {  	_ =	sdelay $0x3  }
0x2a: {  	s14 =	simm.s32 $0x1  }
0x2b: {  	_ =	swait.ge [sflag:s4], $0x2000;
	s14 =	simm.s32 @!p0 $0x0  }
0x2c: {  	[sflag:s4] =	ssyncset.done $0x0;
	s15 =	sshll.u32 s14, $0xD  }
0x2d: {  	[sflag:s4] =	ssyncadd.s32 $0xFFFFE000;
	s18 =	sor.u32 $0x20, s15  }
0x2e: {  	s14 =	smul.u32 $0x8100, s14;
	v3 =	vld [tilespmem:s18+$0x10]  }
0x2f: {  	s30 =	sand.u32 $0x1, s11;
	v2 =	vld [tilespmem:s18+$0xFFFFFFF0]  }
0x30: {  	s15 =	smul.u32 $0x8100, s30;
	s14 =	sshrl.u32 s14, $0x2;
	v0 =	vld [tilespmem:s18+$0x0]  }
0x31: {  	v1 =	vld [tilespmem:s18+$0xFFFFFFE0];
	s16 =	sor.u32 $0x4000, s14  }
0x32: {  	s31 =	sshrl.u32 s15, $0x2;
	s15 =	sadd.s32 $0x0, s16  }
0x33: {  	s17 =	simm.s32 $0x4;
	s18 =	sadd.s32 $0x40, s18;
	s14 =	sor.u32 $0x4000, s31;
	[tilespmem:s15+$0x1830 ss:$0x81] =	vst.msk $0xffff, v3  }
.LBB1_3:
0x34: {  	v3 =	vld [tilespmem:s18+$0x10];
	p1 =	sne.s32 s17, $0x1FC;
	[tilespmem:s15+$0x810 ss:$0x81] =	vst.msk $0xffff, v2;
	s19 =	smov.u32 s17;
	s17 =	sadd.s32 $0x4, s17  }
.Ltmp3:
0x35: {  	v2 =	vld [tilespmem:s18+$0xFFFFFFF0];
	[tilespmem:s15+$0x1020 ss:$0x81] =	vst.msk $0xffff, v0;
	(pc) =	sbr.rel @p1 .LBB1_3-.Ltmp3, $4  }
0x36: {  	v0 =	vld [tilespmem:s18+$0x0];
	[tilespmem:s15+$0x0 ss:$0x81] =	vst.msk $0xffff, v1  }
0x37: {  	s15 =	sshra.s32 s19, $0x2;
	v1 =	vld [tilespmem:s18+$0xFFFFFFE0]  }
0x38: {  	s15 =	sadd.s32 s15, s16  }
0x39: {  	s18 =	sadd.s32 $0x40, s18;
	[tilespmem:s15+$0x1830 ss:$0x81] =	vst.msk $0xffff, v3  }
.Ltmp4:
0x3a: {  	_ = 	snop;
	(pc) =	sbr.rel .LBB1_4-.Ltmp4, $1  }
0x3b: {  	_ =	sdelay $0x3  }
.LBB1_6:
0x3c: {  	_ =	sfence.sel $0x180000  }
0x3d: {  	s2 =	simm.s32 $0x1;
	[bflag:$0x0] =	sbarrier.arrive $0xFFFF  }
0x3e: {  	s31 =	simm.s32 $0x2;
	[sflag:s2] =	ssyncpa.u1 $0x1  }
0x3f: {  	[sflag:s31] =	ssyncpa.u1 $0x1  }
0x40: {  	p0 =	sne.s32 s0, $0x0;
	_ =	strace $0x9000004A  }
0x41: {  	s0 =	sadd.s32 @!p0 $0x100000, s1;
	[bflag:$0x2] =	sbarrier.arrive $0xFFFF  }
0x42: {  	[sflag:s0] =	ssyncadd.tile.s32 @!p0 $0x1;
	_ =	shalt  }
.Lfunc_end1:
_tile_overlayer_lowered:
.L_overlay_start_2:
0x43: {  	(tag) =	ssettag $0x2  }
0x44: {  	s0 =	rddreg [dreg:$0x0];
	s2 =	stileid.u32  }
0x45: {  	s1 =	rddreg [dreg:$0x1];
	p0 =	sne.s32 s2, $0x0  }
0x46: {  	s3 =	rddreg [dreg:$0x2];
	[bflag:$0x3] =	sbarrier.arrive $0xFFFF;
	s2 =	simm.s32 @!p0 $0x1C01  }
0x47: {  	[timem:s3], [sflag:s2] =	dma.local @!p0 [hbm:s0], s1  }
0x48: {  	s0 =	simm.s32 @!p0 $0x1  }
0x49: {  	_ =	swait.ge @!p0 [sflag:s0], s1  }
0x4a: {  	s1 =	ssub.s32 @!p0 $0x0, s1;
	[sflag:s0] =	ssyncset.done @!p0 $0x0  }
0x4b: {  	[sflag:s0] =	ssyncadd.s32 @!p0 s1  }
0x4c: {  	[bflag:$0x3] =	sbarrier.arrive $0xFFFF  }
0x4d: {  	_ =	shalt  }

</sc_bundles>
